<compile_context>
chip_gen: v7x
topology: tpu7x:2x2x1
jax: 0.10.2.dev20260603
libtpu: 0.0.44.dev20260713+nightly
codegen_flags: <defaults>
</compile_context>

<pallas_src>
import functools
import jax
import jax.numpy as jnp
from jax import lax
from jax.experimental import pallas as pl
from jax.experimental.pallas import tpu as pltpu
from jax.experimental.pallas import tpu_sc as plsc

_VOCAB = 50265
_H = 768
_PAD = 1
_EPS = 1e-12
_B, _S = 1024, 200

_L = 16
_NC, _NS = 2, 16
_NW = _NC * _NS
_TOK_W = _B * _S // _NW
_CH = 32
_NCHUNK = _TOK_W // _CH
_NBUF = 4
_TG = 8
_NJ = _H // _L


def _rsqrt16(v):
    i = plsc.bitcast(v, jnp.int32)
    i = jnp.int32(0x5F3759DF) - lax.shift_right_arithmetic(i, 1)
    y = plsc.bitcast(i, jnp.float32)
    for _ in range(3):
        y = y * (1.5 - 0.5 * v * y * y)
    return y


def _splat(s, dtype):
    return lax.broadcast_in_dim(s, (_L,), ()).astype(dtype)


def _emb_body(ids_hbm, word_hbm, pos_hbm, g_hbm, beta_hbm, out_hbm,
              ids_v, pos_v, wb, g_v, b_v, sems):
    wid = lax.axis_index("s") * _NC + lax.axis_index("c")
    base = wid * _TOK_W

    pltpu.sync_copy(g_hbm, g_v)
    pltpu.sync_copy(beta_hbm, b_v)
    pltpu.sync_copy(ids_hbm.at[pl.ds(base, _TOK_W)], ids_v)

    lane = lax.iota(jnp.int32, _L)
    low8 = (lane < 8).astype(jnp.int32)

    def std_chunk(off, carry):
        v = ids_v[pl.ds(off, _L)]
        m = (v != _PAD).astype(jnp.int32)
        pos = (lax.cumsum(m, axis=0) + carry) * m + _PAD
        pos_v[pl.ds(off, _L)] = pos
        return carry + _splat(jnp.sum(m), jnp.int32)

    def row_pair(p, _):
        pbase = p * (2 * _S)

        def chA(j, carry):
            return std_chunk(pbase + j * _L, carry)

        carry = lax.fori_loop(0, 12, chA, jnp.zeros((_L,), jnp.int32))

        off = pbase + 12 * _L
        v = ids_v[pl.ds(off, _L)]
        m = (v != _PAD).astype(jnp.int32)
        mlo = m * low8
        mhi = m - mlo
        poslo = (lax.cumsum(mlo, axis=0) + carry) * m + _PAD
        poshi = lax.cumsum(mhi, axis=0) * m + _PAD
        pos_v[pl.ds(off, _L)] = jnp.where(lane < 8, poslo, poshi)
        carry = _splat(jnp.sum(mhi), jnp.int32)

        def chB(j, carry):
            return std_chunk(pbase + 13 * _L + j * _L, carry)

        lax.fori_loop(0, 12, chB, carry)
        return 0

    lax.fori_loop(0, _TOK_W // (2 * _S), row_pair, 0)

    inv_h = 1.0 / _H

    def issue_gather_w(k, buf):
        idx_w = ids_v.at[pl.ds(k * _CH, _CH)]
        pltpu.async_copy(word_hbm.at[idx_w], wb.at[buf], sems.at[buf])

    def wait_gather_w(k, buf):
        pltpu.make_async_copy(word_hbm.at[ids_v.at[pl.ds(k * _CH, _CH)]],
                              wb.at[buf], sems.at[buf]).wait()

    def issue_gather_p(k, buf):
        idx_p = pos_v.at[pl.ds(k * _CH, _CH)]
        pltpu.async_copy(pos_hbm.at[idx_p], wb.at[buf], sems.at[_NBUF + buf],
                         add=True)

    def wait_gather_p(k, buf):
        pltpu.make_async_copy(pos_hbm.at[pos_v.at[pl.ds(k * _CH, _CH)]],
                              wb.at[buf], sems.at[_NBUF + buf]).wait()

    def drain_out(buf):
        pltpu.make_async_copy(wb.at[buf], out_hbm.at[pl.ds(base, _CH)],
                              sems.at[2 * _NBUF + buf]).wait()

    def compute_chunk(buf):
        def group(gidx, _):
            t0 = gidx * _TG

            def p1(j, acc):
                s, q = acc
                jo = j * _L
                xs = [wb[buf, t0 + tp, pl.ds(jo, _L)] for tp in range(_TG)]
                s = tuple(s[tp] + xs[tp] for tp in range(_TG))
                q = tuple(q[tp] + xs[tp] * xs[tp] for tp in range(_TG))
                return (s, q)

            zeros = tuple(jnp.zeros((_L,), jnp.float32) for _ in range(_TG))
            s, q = plsc.parallel_loop(0, _NJ, carry=(zeros, zeros),
                                      unroll=4)(p1)

            means = []
            invs = []
            for tp in range(_TG):
                mean = _splat(jnp.sum(s[tp]), jnp.float32) * inv_h
                var = (_splat(jnp.sum(q[tp]), jnp.float32) * inv_h
                       - mean * mean)
                means.append(mean)
                invs.append(_rsqrt16(var + _EPS))

            @plsc.parallel_loop(0, _NJ, unroll=4)
            def p2(j):
                jo = j * _L
                gj = g_v[pl.ds(jo, _L)]
                bj = b_v[pl.ds(jo, _L)]
                xs = [wb[buf, t0 + tp, pl.ds(jo, _L)] for tp in range(_TG)]
                for tp in range(_TG):
                    wb[buf, t0 + tp, pl.ds(jo, _L)] = (
                        (xs[tp] - means[tp]) * invs[tp] * gj + bj)
            return 0

        lax.fori_loop(0, _CH // _TG, group, 0)

    issue_gather_w(0, 0)
    issue_gather_w(1, 1)
    wait_gather_w(0, 0)
    issue_gather_p(0, 0)

    def main(k4, _):
        for buf in range(_NBUF):
            k = k4 * _NBUF + buf
            nxt = (buf + 2) % _NBUF
            nx1 = (buf + 1) % _NBUF

            if buf >= 2:
                drain_out(nxt)
            else:
                @pl.when(k4 >= 1)
                def _():
                    drain_out(nxt)

            @pl.when(k + 2 < _NCHUNK)
            def _():
                issue_gather_w(k + 2, nxt)

            @pl.when(k + 1 < _NCHUNK)
            def _():
                wait_gather_w(k + 1, nx1)
                issue_gather_p(k + 1, nx1)

            wait_gather_p(k, buf)
            pltpu.async_copy(wb.at[buf], out_hbm.at[pl.ds(base + k * _CH, _CH)],
                             sems.at[2 * _NBUF + buf])
        return 0

    lax.fori_loop(0, _NCHUNK // _NBUF, main, 0)
    drain_out((_NCHUNK - 2) % _NBUF)
    drain_out((_NCHUNK - 1) % _NBUF)


@jax.jit
def kernel(input_ids, word_table, pos_table, tt_table, gamma, beta):
    mesh = plsc.VectorSubcoreMesh(core_axis_name="c", subcore_axis_name="s",
                                  num_cores=_NC, num_subcores=_NS)
    run = pl.kernel(
        _emb_body,
        out_type=jax.ShapeDtypeStruct((_B * _S, _H), jnp.float32),
        mesh=mesh,
        scratch_types=[
            pltpu.VMEM((_TOK_W,), jnp.int32),
            pltpu.VMEM((_TOK_W,), jnp.int32),
            pltpu.VMEM((_NBUF, _CH, _H), jnp.float32),
            pltpu.VMEM((_H,), jnp.float32),
            pltpu.VMEM((_H,), jnp.float32),
            pltpu.SemaphoreType.DMA((3 * _NBUF,)),
        ],
        compiler_params=pltpu.CompilerParams(use_tc_tiling_on_sc=False,
                                             needs_layout_passes=False),
        name="clap_text_embeddings_sc",
    )
    ptt = pos_table + tt_table[0][None, :]
    out = run(input_ids.astype(jnp.int32).reshape(-1), word_table, ptt,
              gamma, beta)
    return out.reshape(_B, _S, _H)

# --- scband reference (transcript-rebuilt; emitter-appended) ---
"""Pipeline reference for scband-clap-text-embeddings-53506702573738 (READ-ONLY COPY).

The authoritative reference and input builder live on the scoring server;
editing this copy changes nothing except your own understanding.
"""

import jax, jax.numpy as jnp
import numpy as np

VOCAB = 50265
HIDDEN = 768
PAD_IDX = 1
MAX_POS = 514
TYPE_VOCAB = 2
EPS = 1e-12
B, S = 1024, 200


def setup_inputs(seed: int = 0) -> dict:
    key = jax.random.key(seed)
    k1, k2, k3, k4, k5 = jax.random.split(key, 5)
    input_ids = jax.random.randint(k1, (B, S), 0, VOCAB, dtype=jnp.int64 if jax.config.jax_enable_x64 else jnp.int32).astype(jnp.int32)
    word_table = jax.random.normal(k2, (VOCAB, HIDDEN), dtype=jnp.float32) * 0.02
    # padding_idx row is zero in torch nn.Embedding(padding_idx=...)
    word_table = word_table.at[PAD_IDX].set(0.0)
    pos_table = jax.random.normal(k3, (MAX_POS, HIDDEN), dtype=jnp.float32) * 0.02
    pos_table = pos_table.at[PAD_IDX].set(0.0)
    tt_table = jax.random.normal(k4, (TYPE_VOCAB, HIDDEN), dtype=jnp.float32) * 0.02
    gamma = jnp.ones((HIDDEN,), dtype=jnp.float32)
    beta = jnp.zeros((HIDDEN,), dtype=jnp.float32)
    return {"input_ids": input_ids, "word_table": word_table, "pos_table": pos_table,
            "tt_table": tt_table, "gamma": gamma, "beta": beta}


def _create_position_ids_from_input_ids(input_ids, padding_idx, past_key_values_length=0):
    mask = (input_ids != padding_idx).astype(jnp.int32)
    incremental_indices = (jnp.cumsum(mask, axis=1).astype(jnp.int32) + past_key_values_length) * mask
    return incremental_indices + padding_idx


def reference(input_ids, word_table, pos_table, tt_table, gamma, beta):
    position_ids = _create_position_ids_from_input_ids(input_ids, PAD_IDX, 0)
    token_type_ids = jnp.zeros_like(input_ids)
    inputs_embeds = jnp.take(word_table, input_ids, axis=0)
    token_type_embeddings = jnp.take(tt_table, token_type_ids, axis=0)
    embeddings = inputs_embeds + token_type_embeddings
    position_embeddings = jnp.take(pos_table, position_ids, axis=0)
    embeddings = embeddings + position_embeddings
    mean = jnp.mean(embeddings, axis=-1, keepdims=True)
    var = jnp.mean(jnp.square(embeddings - mean), axis=-1, keepdims=True)
    normed = (embeddings - mean) / jnp.sqrt(var + EPS)
    return normed * gamma + beta

if __name__ == "__main__":
    import jax
    _d = setup_inputs()
    print(jax.jit(kernel)(*tuple(_d.values())))

</pallas_src>

<mosaic_0001>
#map = affine_map<(d0, d1) -> (0)>
#map1 = affine_map<(d0, d1) -> (0, 0)>
module attributes {stable_mosaic.version = 14 : i64} {
  func.func @clap_text_embeddings_sc(%arg0: i32, %arg1: i32, %arg2: memref<204800xi32, #tpu.memory_space<hbm>>, %arg3: memref<50265x768xf32, #tpu.memory_space<hbm>>, %arg4: memref<514x768xf32, #tpu.memory_space<hbm>>, %arg5: memref<768xf32, #tpu.memory_space<hbm>>, %arg6: memref<768xf32, #tpu.memory_space<hbm>>, %arg7: memref<204800x768xf32, #tpu.memory_space<hbm>>, %arg8: memref<6400xi32, #tpu.memory_space<vmem>>, %arg9: memref<6400xi32, #tpu.memory_space<vmem>>, %arg10: memref<4x32x768xf32, #tpu.memory_space<vmem>>, %arg11: memref<768xf32, #tpu.memory_space<vmem>>, %arg12: memref<768xf32, #tpu.memory_space<vmem>>, %arg13: memref<12x!tpu.dma_semaphore, #tpu.memory_space<semaphore_mem>>) attributes {dimension_semantics = [#tpu.dimension_semantics<core_parallel>, #tpu.dimension_semantics<subcore_parallel>], iteration_bounds = array<i64: 2, 16>, scalar_prefetch = 0 : i64, scratch_operands = 6 : i64, tpu.core_type = #tpu.core_type<sc_vector_subcore>, window_params = [{transform_indices = #map}, {transform_indices = #map1}, {transform_indices = #map1}, {transform_indices = #map}, {transform_indices = #map}, {transform_indices = #map1}]} {
    %mul3A = arith.constant 2 : i32
    %mul3A_0 = arith.muli %arg1, %mul3A : i32
    %add3A = arith.addi %mul3A_0, %arg0 : i32
    %mul3A_1 = arith.constant 6400 : i32
    %mul3A_2 = arith.muli %add3A, %mul3A_1 : i32
    "tpu.region"() ({
      %run_scoped3A = tpu.sem_alloc : memref<!tpu.dma_semaphore, #tpu.memory_space<semaphore_mem>>
      tpu.enqueue_dma source(%arg5 : memref<768xf32, #tpu.memory_space<hbm>>) target(%arg11 : memref<768xf32, #tpu.memory_space<vmem>>) target_semaphore(%run_scoped3A : memref<!tpu.dma_semaphore, #tpu.memory_space<semaphore_mem>>)
      tpu.wait_dma2 semaphore(%run_scoped3A : memref<!tpu.dma_semaphore, #tpu.memory_space<semaphore_mem>>) src(%arg5 : memref<768xf32, #tpu.memory_space<hbm>>) dst(%arg11 : memref<768xf32, #tpu.memory_space<vmem>>)
      tpu.yield
    }) : () -> ()
    "tpu.region"() ({
      %run_scoped3A = tpu.sem_alloc : memref<!tpu.dma_semaphore, #tpu.memory_space<semaphore_mem>>
      tpu.enqueue_dma source(%arg6 : memref<768xf32, #tpu.memory_space<hbm>>) target(%arg12 : memref<768xf32, #tpu.memory_space<vmem>>) target_semaphore(%run_scoped3A : memref<!tpu.dma_semaphore, #tpu.memory_space<semaphore_mem>>)
      tpu.wait_dma2 semaphore(%run_scoped3A : memref<!tpu.dma_semaphore, #tpu.memory_space<semaphore_mem>>) src(%arg6 : memref<768xf32, #tpu.memory_space<hbm>>) dst(%arg12 : memref<768xf32, #tpu.memory_space<vmem>>)
      tpu.yield
    }) : () -> ()
    "tpu.region"() ({
      %run_scoped3A = tpu.sem_alloc : memref<!tpu.dma_semaphore, #tpu.memory_space<semaphore_mem>>
      %dma_start3A_100 = tpu.memref_slice %arg2[%mul3A_2] : memref<204800xi32, #tpu.memory_space<hbm>> -> memref<6400xi32, #tpu.memory_space<hbm>>
      %dma_start3A_101 = tpu.memref_slice %arg2[%mul3A_2] : memref<204800xi32, #tpu.memory_space<hbm>> -> memref<6400xi32, #tpu.memory_space<hbm>>
      tpu.enqueue_dma source(%dma_start3A_101 : memref<6400xi32, #tpu.memory_space<hbm>>) target(%arg8 : memref<6400xi32, #tpu.memory_space<vmem>>) target_semaphore(%run_scoped3A : memref<!tpu.dma_semaphore, #tpu.memory_space<semaphore_mem>>)
      %dma_wait3A_102 = tpu.memref_slice %arg2[%mul3A_2] : memref<204800xi32, #tpu.memory_space<hbm>> -> memref<6400xi32, #tpu.memory_space<hbm>>
      %dma_wait3A_103 = tpu.memref_slice %arg2[%mul3A_2] : memref<204800xi32, #tpu.memory_space<hbm>> -> memref<6400xi32, #tpu.memory_space<hbm>>
      tpu.wait_dma2 semaphore(%run_scoped3A : memref<!tpu.dma_semaphore, #tpu.memory_space<semaphore_mem>>) src(%dma_wait3A_103 : memref<6400xi32, #tpu.memory_space<hbm>>) dst(%arg8 : memref<6400xi32, #tpu.memory_space<vmem>>)
      tpu.yield
    }) : () -> ()
    %iota3A = tpu.iota {dimensions = array<i32: 0>} : vector<16xi32>
    %lt3A = arith.constant 8 : i32
    %lt3A_3 = vector.broadcast %lt3A : i32 to vector<16xi32>
    %lt3A_4 = arith.cmpi slt, %iota3A, %lt3A_3 : vector<16xi32>
    %convert_element_type3A = arith.extui %lt3A_4 : vector<16xi1> to vector<16xi32>
    %scan3A = arith.constant 0 : i32
    %scan3A_5 = arith.constant 0 : i32
    %scan3A_6 = arith.constant 16 : i32
    %scan3A_7 = arith.addi %scan3A_5, %scan3A_6 : i32
    %scan3A_8 = arith.constant 1 : i32
    %scan3A_9 = scf.for %scan3A_100 = %scan3A_5 to %scan3A_7 step %scan3A_8 iter_args(%scan3A_101 = %scan3A) -> (i32)  : i32 {
      %mul3A_102 = arith.constant 400 : i32
      %mul3A_103 = arith.muli %scan3A_100, %mul3A_102 : i32
      %broadcast_in_dim3A = arith.constant 0 : i32
      %broadcast_in_dim3A_104 = vector.broadcast %broadcast_in_dim3A : i32 to vector<16xi32>
      %scan3A_105 = arith.constant 0 : i32
      %scan3A_106 = arith.constant 12 : i32
      %scan3A_107 = arith.addi %scan3A_105, %scan3A_106 : i32
      %scan3A_108 = arith.constant 1 : i32
      %scan3A_109 = scf.for %scan3A_147 = %scan3A_105 to %scan3A_107 step %scan3A_108 iter_args(%scan3A_148 = %broadcast_in_dim3A_104) -> (vector<16xi32>)  : i32 {
        %mul3A_149 = arith.constant 16 : i32
        %mul3A_150 = arith.muli %scan3A_147, %mul3A_149 : i32
        %add3A_151 = arith.addi %mul3A_103, %mul3A_150 : i32
        %get3A_152 = arith.index_cast %add3A_151 : i32 to index
        %get3A_153 = tpu.vector_load %arg8[%get3A_152] {strides = array<i32>} : memref<6400xi32, #tpu.memory_space<vmem>>, vector<16xi32>,
        %ne3A_154 = arith.constant 1 : i32
        %ne3A_155 = vector.broadcast %ne3A_154 : i32 to vector<16xi32>
        %ne3A_156 = arith.cmpi ne, %get3A_153, %ne3A_155 : vector<16xi32>
        %convert_element_type3A_157 = arith.extui %ne3A_156 : vector<16xi1> to vector<16xi32>
        %cumsum3A_158 = arith.constant true
        %cumsum3A_159 = vector.broadcast %cumsum3A_158 : i1 to vector<16xi1>
        %cumsum3A_160 = tpu.scan <sum>, %convert_element_type3A_157 masked %cumsum3A_159 : vector<16xi32>, vector<16xi1> -> vector<16xi32>
        %add3A_161 = arith.addi %cumsum3A_160, %scan3A_148 : vector<16xi32>
        %mul3A_162 = arith.muli %add3A_161, %convert_element_type3A_157 : vector<16xi32>
        %add3A_163 = arith.constant 1 : i32
        %add3A_164 = vector.broadcast %add3A_163 : i32 to vector<16xi32>
        %add3A_165 = arith.addi %mul3A_162, %add3A_164 : vector<16xi32>
        %swap3A_166 = arith.index_cast %add3A_151 : i32 to index
        %swap3A_167 = tpu.vector_load %arg9[%swap3A_166] {strides = array<i32>} : memref<6400xi32, #tpu.memory_space<vmem>>, vector<16xi32>,
        tpu.vector_store %arg9[%swap3A_166], %add3A_165 {strides = array<i32>} : memref<6400xi32, #tpu.memory_space<vmem>>, vector<16xi32>,
        %reduce_sum3A_168 = arith.constant true
        %reduce_sum3A_169 = vector.broadcast %reduce_sum3A_168 : i1 to vector<16xi1>
        %reduce_sum3A_170 = tpu.scan <sum>, %convert_element_type3A_157 masked %reduce_sum3A_169 : vector<16xi32>, vector<16xi1> -> vector<16xi32>
        %reduce_sum3A_171 = vector.extract %reduce_sum3A_170[15] : i32 from vector<16xi32>
        %broadcast_in_dim3A_172 = vector.broadcast %reduce_sum3A_171 : i32 to vector<16xi32>
        %add3A_173 = arith.addi %scan3A_148, %broadcast_in_dim3A_172 : vector<16xi32>
        scf.yield %add3A_173 : vector<16xi32>
      }
      %scan3A_110 = arith.constant 12 : i32
      %add3A_111 = arith.constant 192 : i32
      %add3A_112 = arith.addi %mul3A_103, %add3A_111 : i32
      %get3A = arith.index_cast %add3A_112 : i32 to index
      %get3A_113 = tpu.vector_load %arg8[%get3A] {strides = array<i32>} : memref<6400xi32, #tpu.memory_space<vmem>>, vector<16xi32>,
      %ne3A = arith.constant 1 : i32
      %ne3A_114 = vector.broadcast %ne3A : i32 to vector<16xi32>
      %ne3A_115 = arith.cmpi ne, %get3A_113, %ne3A_114 : vector<16xi32>
      %convert_element_type3A_116 = arith.extui %ne3A_115 : vector<16xi1> to vector<16xi32>
      %mul3A_117 = arith.muli %convert_element_type3A_116, %convert_element_type3A : vector<16xi32>
      %sub3A = arith.subi %convert_element_type3A_116, %mul3A_117 : vector<16xi32>
      %cumsum3A = arith.constant true
      %cumsum3A_118 = vector.broadcast %cumsum3A : i1 to vector<16xi1>
      %cumsum3A_119 = tpu.scan <sum>, %mul3A_117 masked %cumsum3A_118 : vector<16xi32>, vector<16xi1> -> vector<16xi32>
      %add3A_120 = arith.addi %cumsum3A_119, %scan3A_109 : vector<16xi32>
      %mul3A_121 = arith.muli %add3A_120, %convert_element_type3A_116 : vector<16xi32>
      %add3A_122 = arith.constant 1 : i32
      %add3A_123 = vector.broadcast %add3A_122 : i32 to vector<16xi32>
      %add3A_124 = arith.addi %mul3A_121, %add3A_123 : vector<16xi32>
      %cumsum3A_125 = arith.constant true
      %cumsum3A_126 = vector.broadcast %cumsum3A_125 : i1 to vector<16xi1>
      %cumsum3A_127 = tpu.scan <sum>, %sub3A masked %cumsum3A_126 : vector<16xi32>, vector<16xi1> -> vector<16xi32>
      %mul3A_128 = arith.muli %cumsum3A_127, %convert_element_type3A_116 : vector<16xi32>
      %add3A_129 = arith.constant 1 : i32
      %add3A_130 = vector.broadcast %add3A_129 : i32 to vector<16xi32>
      %add3A_131 = arith.addi %mul3A_128, %add3A_130 : vector<16xi32>
      %lt3A_132 = arith.constant 8 : i32
      %lt3A_133 = vector.broadcast %lt3A_132 : i32 to vector<16xi32>
      %lt3A_134 = arith.cmpi slt, %iota3A, %lt3A_133 : vector<16xi32>
      %select_n3A = arith.select %lt3A_134, %add3A_124, %add3A_131 : vector<16xi1>, vector<16xi32>
      %swap3A = arith.index_cast %add3A_112 : i32 to index
      %swap3A_135 = tpu.vector_load %arg9[%swap3A] {strides = array<i32>} : memref<6400xi32, #tpu.memory_space<vmem>>, vector<16xi32>,
      tpu.vector_store %arg9[%swap3A], %select_n3A {strides = array<i32>} : memref<6400xi32, #tpu.memory_space<vmem>>, vector<16xi32>,
      %reduce_sum3A = arith.constant true
      %reduce_sum3A_136 = vector.broadcast %reduce_sum3A : i1 to vector<16xi1>
      %reduce_sum3A_137 = tpu.scan <sum>, %sub3A masked %reduce_sum3A_136 : vector<16xi32>, vector<16xi1> -> vector<16xi32>
      %reduce_sum3A_138 = vector.extract %reduce_sum3A_137[15] : i32 from vector<16xi32>
      %broadcast_in_dim3A_139 = vector.broadcast %reduce_sum3A_138 : i32 to vector<16xi32>
      %scan3A_140 = arith.constant 0 : i32
      %scan3A_141 = arith.constant 12 : i32
      %scan3A_142 = arith.addi %scan3A_140, %scan3A_141 : i32
      %scan3A_143 = arith.constant 1 : i32
      %scan3A_144 = scf.for %scan3A_147 = %scan3A_140 to %scan3A_142 step %scan3A_143 iter_args(%scan3A_148 = %broadcast_in_dim3A_139) -> (vector<16xi32>)  : i32 {
        %add3A_149 = arith.constant 208 : i32
        %add3A_150 = arith.addi %mul3A_103, %add3A_149 : i32
        %mul3A_151 = arith.constant 16 : i32
        %mul3A_152 = arith.muli %scan3A_147, %mul3A_151 : i32
        %add3A_153 = arith.addi %add3A_150, %mul3A_152 : i32
        %get3A_154 = arith.index_cast %add3A_153 : i32 to index
        %get3A_155 = tpu.vector_load %arg8[%get3A_154] {strides = array<i32>} : memref<6400xi32, #tpu.memory_space<vmem>>, vector<16xi32>,
        %ne3A_156 = arith.constant 1 : i32
        %ne3A_157 = vector.broadcast %ne3A_156 : i32 to vector<16xi32>
        %ne3A_158 = arith.cmpi ne, %get3A_155, %ne3A_157 : vector<16xi32>
        %convert_element_type3A_159 = arith.extui %ne3A_158 : vector<16xi1> to vector<16xi32>
        %cumsum3A_160 = arith.constant true
        %cumsum3A_161 = vector.broadcast %cumsum3A_160 : i1 to vector<16xi1>
        %cumsum3A_162 = tpu.scan <sum>, %convert_element_type3A_159 masked %cumsum3A_161 : vector<16xi32>, vector<16xi1> -> vector<16xi32>
        %add3A_163 = arith.addi %cumsum3A_162, %scan3A_148 : vector<16xi32>
        %mul3A_164 = arith.muli %add3A_163, %convert_element_type3A_159 : vector<16xi32>
        %add3A_165 = arith.constant 1 : i32
        %add3A_166 = vector.broadcast %add3A_165 : i32 to vector<16xi32>
        %add3A_167 = arith.addi %mul3A_164, %add3A_166 : vector<16xi32>
        %swap3A_168 = arith.index_cast %add3A_153 : i32 to index
        %swap3A_169 = tpu.vector_load %arg9[%swap3A_168] {strides = array<i32>} : memref<6400xi32, #tpu.memory_space<vmem>>, vector<16xi32>,
        tpu.vector_store %arg9[%swap3A_168], %add3A_167 {strides = array<i32>} : memref<6400xi32, #tpu.memory_space<vmem>>, vector<16xi32>,
        %reduce_sum3A_170 = arith.constant true
        %reduce_sum3A_171 = vector.broadcast %reduce_sum3A_170 : i1 to vector<16xi1>
        %reduce_sum3A_172 = tpu.scan <sum>, %convert_element_type3A_159 masked %reduce_sum3A_171 : vector<16xi32>, vector<16xi1> -> vector<16xi32>
        %reduce_sum3A_173 = vector.extract %reduce_sum3A_172[15] : i32 from vector<16xi32>
        %broadcast_in_dim3A_174 = vector.broadcast %reduce_sum3A_173 : i32 to vector<16xi32>
        %add3A_175 = arith.addi %scan3A_148, %broadcast_in_dim3A_174 : vector<16xi32>
        scf.yield %add3A_175 : vector<16xi32>
      }
      %scan3A_145 = arith.constant 12 : i32
      %scan3A_146 = arith.constant 0 : i32
      scf.yield %scan3A_146 : i32
    }
    %scan3A_10 = arith.constant 16 : i32
    %dma_start3A = arith.constant 0 : i32
    %dma_start3A_11 = arith.constant 0 : i32
    %dma_start3A_12 = arith.constant 0 : i32
    %dma_start3A_13 = arith.constant 0 : i32
    %dma_start3A_14 = tpu.memref_slice %arg10[%dma_start3A, %dma_start3A_12, %dma_start3A_13] : memref<4x32x768xf32, #tpu.memory_space<vmem>> -> memref<1x32x768xf32, #tpu.memory_space<vmem>>
    %dma_start3A_15 = tpu.memref_squeeze %dma_start3A_14 : memref<1x32x768xf32, #tpu.memory_space<vmem>> -> memref<32x768xf32, #tpu.memory_space<vmem>>
    %dma_start3A_16 = arith.constant 0 : i32
    %dma_start3A_17 = tpu.memref_slice %arg8[%dma_start3A_16] : memref<6400xi32, #tpu.memory_space<vmem>> -> memref<32xi32, #tpu.memory_space<vmem>>
    %dma_start3A_18 = arith.constant 0 : i32
    %dma_start3A_19 = arith.constant 0 : i32
    %dma_start3A_20 = tpu.memref_slice %arg3[%dma_start3A_18, %dma_start3A_19] : memref<50265x768xf32, #tpu.memory_space<hbm>> -> memref<50265x768xf32, #tpu.memory_space<hbm>>
    %dma_start3A_21 = tpu.memref_slice %arg13[%dma_start3A_11] : memref<12x!tpu.dma_semaphore, #tpu.memory_space<semaphore_mem>> -> memref<1x!tpu.dma_semaphore, #tpu.memory_space<semaphore_mem>>
    %dma_start3A_22 = tpu.memref_squeeze %dma_start3A_21 : memref<1x!tpu.dma_semaphore, #tpu.memory_space<semaphore_mem>> -> memref<!tpu.dma_semaphore, #tpu.memory_space<semaphore_mem>>
    tpu.enqueue_indirect_dma source(%dma_start3A_20 : memref<50265x768xf32, #tpu.memory_space<hbm>>) target(%dma_start3A_15 : memref<32x768xf32, #tpu.memory_space<vmem>>) offsets(%dma_start3A_17 : memref<32xi32, #tpu.memory_space<vmem>>) semaphore(%dma_start3A_22 : memref<!tpu.dma_semaphore, #tpu.memory_space<semaphore_mem>>)
    %dma_start3A_23 = arith.constant 1 : i32
    %dma_start3A_24 = arith.constant 1 : i32
    %dma_start3A_25 = arith.constant 0 : i32
    %dma_start3A_26 = arith.constant 0 : i32
    %dma_start3A_27 = tpu.memref_slice %arg10[%dma_start3A_23, %dma_start3A_25, %dma_start3A_26] : memref<4x32x768xf32, #tpu.memory_space<vmem>> -> memref<1x32x768xf32, #tpu.memory_space<vmem>>
    %dma_start3A_28 = tpu.memref_squeeze %dma_start3A_27 : memref<1x32x768xf32, #tpu.memory_space<vmem>> -> memref<32x768xf32, #tpu.memory_space<vmem>>
    %dma_start3A_29 = arith.constant 32 : i32
    %dma_start3A_30 = tpu.memref_slice %arg8[%dma_start3A_29] : memref<6400xi32, #tpu.memory_space<vmem>> -> memref<32xi32, #tpu.memory_space<vmem>>
    %dma_start3A_31 = arith.constant 0 : i32
    %dma_start3A_32 = arith.constant 0 : i32
    %dma_start3A_33 = tpu.memref_slice %arg3[%dma_start3A_31, %dma_start3A_32] : memref<50265x768xf32, #tpu.memory_space<hbm>> -> memref<50265x768xf32, #tpu.memory_space<hbm>>
    %dma_start3A_34 = tpu.memref_slice %arg13[%dma_start3A_24] : memref<12x!tpu.dma_semaphore, #tpu.memory_space<semaphore_mem>> -> memref<1x!tpu.dma_semaphore, #tpu.memory_space<semaphore_mem>>
    %dma_start3A_35 = tpu.memref_squeeze %dma_start3A_34 : memref<1x!tpu.dma_semaphore, #tpu.memory_space<semaphore_mem>> -> memref<!tpu.dma_semaphore, #tpu.memory_space<semaphore_mem>>
    tpu.enqueue_indirect_dma source(%dma_start3A_33 : memref<50265x768xf32, #tpu.memory_space<hbm>>) target(%dma_start3A_28 : memref<32x768xf32, #tpu.memory_space<vmem>>) offsets(%dma_start3A_30 : memref<32xi32, #tpu.memory_space<vmem>>) semaphore(%dma_start3A_35 : memref<!tpu.dma_semaphore, #tpu.memory_space<semaphore_mem>>)
    %dma_wait3A = arith.constant 0 : i32
    %dma_wait3A_36 = arith.constant 0 : i32
    %dma_wait3A_37 = arith.constant 0 : i32
    %dma_wait3A_38 = arith.constant 0 : i32
    %dma_wait3A_39 = tpu.memref_slice %arg10[%dma_wait3A, %dma_wait3A_37, %dma_wait3A_38] : memref<4x32x768xf32, #tpu.memory_space<vmem>> -> memref<1x32x768xf32, #tpu.memory_space<vmem>>
    %dma_wait3A_40 = tpu.memref_squeeze %dma_wait3A_39 : memref<1x32x768xf32, #tpu.memory_space<vmem>> -> memref<32x768xf32, #tpu.memory_space<vmem>>
    %dma_wait3A_41 = arith.constant 0 : i32
    %dma_wait3A_42 = tpu.memref_slice %arg8[%dma_wait3A_41] : memref<6400xi32, #tpu.memory_space<vmem>> -> memref<32xi32, #tpu.memory_space<vmem>>
    %dma_wait3A_43 = arith.constant 0 : i32
    %dma_wait3A_44 = arith.constant 0 : i32
    %dma_wait3A_45 = tpu.memref_slice %arg3[%dma_wait3A_43, %dma_wait3A_44] : memref<50265x768xf32, #tpu.memory_space<hbm>> -> memref<50265x768xf32, #tpu.memory_space<hbm>>
    %dma_wait3A_46 = tpu.memref_slice %arg13[%dma_wait3A_36] : memref<12x!tpu.dma_semaphore, #tpu.memory_space<semaphore_mem>> -> memref<1x!tpu.dma_semaphore, #tpu.memory_space<semaphore_mem>>
    %dma_wait3A_47 = tpu.memref_squeeze %dma_wait3A_46 : memref<1x!tpu.dma_semaphore, #tpu.memory_space<semaphore_mem>> -> memref<!tpu.dma_semaphore, #tpu.memory_space<semaphore_mem>>
    tpu.wait_indirect_dma semaphore(%dma_wait3A_47 : memref<!tpu.dma_semaphore, #tpu.memory_space<semaphore_mem>>) src(%dma_wait3A_45 : memref<50265x768xf32, #tpu.memory_space<hbm>>) dst(%dma_wait3A_40 : memref<32x768xf32, #tpu.memory_space<vmem>>)
    %dma_start3A_48 = arith.constant 0 : i32
    %dma_start3A_49 = arith.constant 4 : i32
    %dma_start3A_50 = arith.constant 0 : i32
    %dma_start3A_51 = arith.constant 0 : i32
    %dma_start3A_52 = tpu.memref_slice %arg10[%dma_start3A_48, %dma_start3A_50, %dma_start3A_51] : memref<4x32x768xf32, #tpu.memory_space<vmem>> -> memref<1x32x768xf32, #tpu.memory_space<vmem>>
    %dma_start3A_53 = tpu.memref_squeeze %dma_start3A_52 : memref<1x32x768xf32, #tpu.memory_space<vmem>> -> memref<32x768xf32, #tpu.memory_space<vmem>>
    %dma_start3A_54 = arith.constant 0 : i32
    %dma_start3A_55 = tpu.memref_slice %arg9[%dma_start3A_54] : memref<6400xi32, #tpu.memory_space<vmem>> -> memref<32xi32, #tpu.memory_space<vmem>>
    %dma_start3A_56 = arith.constant 0 : i32
    %dma_start3A_57 = arith.constant 0 : i32
    %dma_start3A_58 = tpu.memref_slice %arg4[%dma_start3A_56, %dma_start3A_57] : memref<514x768xf32, #tpu.memory_space<hbm>> -> memref<514x768xf32, #tpu.memory_space<hbm>>
    %dma_start3A_59 = tpu.memref_slice %arg13[%dma_start3A_49] : memref<12x!tpu.dma_semaphore, #tpu.memory_space<semaphore_mem>> -> memref<1x!tpu.dma_semaphore, #tpu.memory_space<semaphore_mem>>
    %dma_start3A_60 = tpu.memref_squeeze %dma_start3A_59 : memref<1x!tpu.dma_semaphore, #tpu.memory_space<semaphore_mem>> -> memref<!tpu.dma_semaphore, #tpu.memory_space<semaphore_mem>>
    tpu.enqueue_indirect_dma source(%dma_start3A_58 : memref<514x768xf32, #tpu.memory_space<hbm>>) target(%dma_start3A_53 : memref<32x768xf32, #tpu.memory_space<vmem>>) offsets(%dma_start3A_55 : memref<32xi32, #tpu.memory_space<vmem>>) semaphore(%dma_start3A_60 : memref<!tpu.dma_semaphore, #tpu.memory_space<semaphore_mem>>) {add = true}
    %scan3A_61 = arith.constant 0 : i32
    %scan3A_62 = arith.constant 0 : i32
    %scan3A_63 = arith.constant 50 : i32
    %scan3A_64 = arith.addi %scan3A_62, %scan3A_63 : i32
    %scan3A_65 = arith.constant 1 : i32
    %scan3A_66 = scf.for %scan3A_100 = %scan3A_62 to %scan3A_64 step %scan3A_65 iter_args(%scan3A_101 = %scan3A_61) -> (i32)  : i32 {
      %mul3A_102 = arith.constant 4 : i32
      %mul3A_103 = arith.muli %scan3A_100, %mul3A_102 : i32
      %add3A_104 = arith.constant 0 : i32
      %add3A_105 = arith.addi %mul3A_103, %add3A_104 : i32
      %ge3A = arith.constant 1 : i32
      %ge3A_106 = arith.cmpi sge, %scan3A_100, %ge3A : i32
      %convert_element_type3A_107 = arith.extui %ge3A_106 : i1 to i32
      %cond3A = arith.constant 0 : i32
      %cond3A_108 = arith.cmpi ne, %convert_element_type3A_107, %cond3A : i32
      scf.if %cond3A_108 {
        %dma_wait3A_347 = arith.constant 2 : i32
        %dma_wait3A_348 = arith.constant 10 : i32
        %dma_wait3A_349 = arith.constant 0 : i32
        %dma_wait3A_350 = arith.constant 0 : i32
        %dma_wait3A_351 = tpu.memref_slice %arg10[%dma_wait3A_347, %dma_wait3A_349, %dma_wait3A_350] : memref<4x32x768xf32, #tpu.memory_space<vmem>> -> memref<1x32x768xf32, #tpu.memory_space<vmem>>
        %dma_wait3A_352 = tpu.memref_squeeze %dma_wait3A_351 : memref<1x32x768xf32, #tpu.memory_space<vmem>> -> memref<32x768xf32, #tpu.memory_space<vmem>>
        %dma_wait3A_353 = arith.constant 0 : i32
        %dma_wait3A_354 = tpu.memref_slice %arg7[%mul3A_2, %dma_wait3A_353] : memref<204800x768xf32, #tpu.memory_space<hbm>> -> memref<32x768xf32, #tpu.memory_space<hbm>>
        %dma_wait3A_355 = tpu.memref_slice %arg13[%dma_wait3A_348] : memref<12x!tpu.dma_semaphore, #tpu.memory_space<semaphore_mem>> -> memref<1x!tpu.dma_semaphore, #tpu.memory_space<semaphore_mem>>
        %dma_wait3A_356 = tpu.memref_squeeze %dma_wait3A_355 : memref<1x!tpu.dma_semaphore, #tpu.memory_space<semaphore_mem>> -> memref<!tpu.dma_semaphore, #tpu.memory_space<semaphore_mem>>
        %dma_wait3A_357 = arith.constant 0 : i32
        %dma_wait3A_358 = tpu.memref_slice %arg7[%mul3A_2, %dma_wait3A_357] : memref<204800x768xf32, #tpu.memory_space<hbm>> -> memref<32x768xf32, #tpu.memory_space<hbm>>
        %dma_wait3A_359 = arith.constant 0 : i32
        %dma_wait3A_360 = arith.constant 0 : i32
        %dma_wait3A_361 = tpu.memref_slice %arg10[%dma_wait3A_347, %dma_wait3A_359, %dma_wait3A_360] : memref<4x32x768xf32, #tpu.memory_space<vmem>> -> memref<1x32x768xf32, #tpu.memory_space<vmem>>
        %dma_wait3A_362 = tpu.memref_squeeze %dma_wait3A_361 : memref<1x32x768xf32, #tpu.memory_space<vmem>> -> memref<32x768xf32, #tpu.memory_space<vmem>>
        tpu.wait_dma2 semaphore(%dma_wait3A_356 : memref<!tpu.dma_semaphore, #tpu.memory_space<semaphore_mem>>) src(%dma_wait3A_362 : memref<32x768xf32, #tpu.memory_space<vmem>>) dst(%dma_wait3A_358 : memref<32x768xf32, #tpu.memory_space<hbm>>)
      } else {
      }
      %add3A_109 = arith.constant 2 : i32
      %add3A_110 = arith.addi %add3A_105, %add3A_109 : i32
      %lt3A_111 = arith.constant 200 : i32
      %lt3A_112 = arith.cmpi slt, %add3A_110, %lt3A_111 : i32
      %convert_element_type3A_113 = arith.extui %lt3A_112 : i1 to i32
      %cond3A_114 = arith.constant 0 : i32
      %cond3A_115 = arith.cmpi ne, %convert_element_type3A_113, %cond3A_114 : i32
      scf.if %cond3A_115 {
        %add3A_347 = arith.constant 2 : i32
        %add3A_348 = arith.addi %add3A_105, %add3A_347 : i32
        %mul3A_349 = arith.constant 32 : i32
        %mul3A_350 = arith.muli %add3A_348, %mul3A_349 : i32
        %dma_start3A_351 = arith.constant 2 : i32
        %dma_start3A_352 = arith.constant 2 : i32
        %dma_start3A_353 = arith.constant 0 : i32
        %dma_start3A_354 = arith.constant 0 : i32
        %dma_start3A_355 = tpu.memref_slice %arg10[%dma_start3A_351, %dma_start3A_353, %dma_start3A_354] : memref<4x32x768xf32, #tpu.memory_space<vmem>> -> memref<1x32x768xf32, #tpu.memory_space<vmem>>
        %dma_start3A_356 = tpu.memref_squeeze %dma_start3A_355 : memref<1x32x768xf32, #tpu.memory_space<vmem>> -> memref<32x768xf32, #tpu.memory_space<vmem>>
        %dma_start3A_357 = tpu.memref_slice %arg8[%mul3A_350] : memref<6400xi32, #tpu.memory_space<vmem>> -> memref<32xi32, #tpu.memory_space<vmem>>
        %dma_start3A_358 = arith.constant 0 : i32
        %dma_start3A_359 = arith.constant 0 : i32
        %dma_start3A_360 = tpu.memref_slice %arg3[%dma_start3A_358, %dma_start3A_359] : memref<50265x768xf32, #tpu.memory_space<hbm>> -> memref<50265x768xf32, #tpu.memory_space<hbm>>
        %dma_start3A_361 = tpu.memref_slice %arg13[%dma_start3A_352] : memref<12x!tpu.dma_semaphore, #tpu.memory_space<semaphore_mem>> -> memref<1x!tpu.dma_semaphore, #tpu.memory_space<semaphore_mem>>
        %dma_start3A_362 = tpu.memref_squeeze %dma_start3A_361 : memref<1x!tpu.dma_semaphore, #tpu.memory_space<semaphore_mem>> -> memref<!tpu.dma_semaphore, #tpu.memory_space<semaphore_mem>>
        tpu.enqueue_indirect_dma source(%dma_start3A_360 : memref<50265x768xf32, #tpu.memory_space<hbm>>) target(%dma_start3A_356 : memref<32x768xf32, #tpu.memory_space<vmem>>) offsets(%dma_start3A_357 : memref<32xi32, #tpu.memory_space<vmem>>) semaphore(%dma_start3A_362 : memref<!tpu.dma_semaphore, #tpu.memory_space<semaphore_mem>>)
      } else {
      }
      %add3A_116 = arith.constant 1 : i32
      %add3A_117 = arith.addi %add3A_105, %add3A_116 : i32
      %lt3A_118 = arith.constant 200 : i32
      %lt3A_119 = arith.cmpi slt, %add3A_117, %lt3A_118 : i32
      %convert_element_type3A_120 = arith.extui %lt3A_119 : i1 to i32
      %cond3A_121 = arith.constant 0 : i32
      %cond3A_122 = arith.cmpi ne, %convert_element_type3A_120, %cond3A_121 : i32
      scf.if %cond3A_122 {
        %add3A_347 = arith.constant 1 : i32
        %add3A_348 = arith.addi %add3A_105, %add3A_347 : i32
        %mul3A_349 = arith.constant 32 : i32
        %mul3A_350 = arith.muli %add3A_348, %mul3A_349 : i32
        %dma_wait3A_351 = arith.constant 1 : i32
        %dma_wait3A_352 = arith.constant 1 : i32
        %dma_wait3A_353 = arith.constant 0 : i32
        %dma_wait3A_354 = arith.constant 0 : i32
        %dma_wait3A_355 = tpu.memref_slice %arg10[%dma_wait3A_351, %dma_wait3A_353, %dma_wait3A_354] : memref<4x32x768xf32, #tpu.memory_space<vmem>> -> memref<1x32x768xf32, #tpu.memory_space<vmem>>
        %dma_wait3A_356 = tpu.memref_squeeze %dma_wait3A_355 : memref<1x32x768xf32, #tpu.memory_space<vmem>> -> memref<32x768xf32, #tpu.memory_space<vmem>>
        %dma_wait3A_357 = tpu.memref_slice %arg8[%mul3A_350] : memref<6400xi32, #tpu.memory_space<vmem>> -> memref<32xi32, #tpu.memory_space<vmem>>
        %dma_wait3A_358 = arith.constant 0 : i32
        %dma_wait3A_359 = arith.constant 0 : i32
        %dma_wait3A_360 = tpu.memref_slice %arg3[%dma_wait3A_358, %dma_wait3A_359] : memref<50265x768xf32, #tpu.memory_space<hbm>> -> memref<50265x768xf32, #tpu.memory_space<hbm>>
        %dma_wait3A_361 = tpu.memref_slice %arg13[%dma_wait3A_352] : memref<12x!tpu.dma_semaphore, #tpu.memory_space<semaphore_mem>> -> memref<1x!tpu.dma_semaphore, #tpu.memory_space<semaphore_mem>>
        %dma_wait3A_362 = tpu.memref_squeeze %dma_wait3A_361 : memref<1x!tpu.dma_semaphore, #tpu.memory_space<semaphore_mem>> -> memref<!tpu.dma_semaphore, #tpu.memory_space<semaphore_mem>>
        tpu.wait_indirect_dma semaphore(%dma_wait3A_362 : memref<!tpu.dma_semaphore, #tpu.memory_space<semaphore_mem>>) src(%dma_wait3A_360 : memref<50265x768xf32, #tpu.memory_space<hbm>>) dst(%dma_wait3A_356 : memref<32x768xf32, #tpu.memory_space<vmem>>)
        %add3A_363 = arith.constant 1 : i32
        %add3A_364 = arith.addi %add3A_105, %add3A_363 : i32
        %mul3A_365 = arith.constant 32 : i32
        %mul3A_366 = arith.muli %add3A_364, %mul3A_365 : i32
        %dma_start3A_367 = arith.constant 1 : i32
        %dma_start3A_368 = arith.constant 5 : i32
        %dma_start3A_369 = arith.constant 0 : i32
        %dma_start3A_370 = arith.constant 0 : i32
        %dma_start3A_371 = tpu.memref_slice %arg10[%dma_start3A_367, %dma_start3A_369, %dma_start3A_370] : memref<4x32x768xf32, #tpu.memory_space<vmem>> -> memref<1x32x768xf32, #tpu.memory_space<vmem>>
        %dma_start3A_372 = tpu.memref_squeeze %dma_start3A_371 : memref<1x32x768xf32, #tpu.memory_space<vmem>> -> memref<32x768xf32, #tpu.memory_space<vmem>>
        %dma_start3A_373 = tpu.memref_slice %arg9[%mul3A_366] : memref<6400xi32, #tpu.memory_space<vmem>> -> memref<32xi32, #tpu.memory_space<vmem>>
        %dma_start3A_374 = arith.constant 0 : i32
        %dma_start3A_375 = arith.constant 0 : i32
        %dma_start3A_376 = tpu.memref_slice %arg4[%dma_start3A_374, %dma_start3A_375] : memref<514x768xf32, #tpu.memory_space<hbm>> -> memref<514x768xf32, #tpu.memory_space<hbm>>
        %dma_start3A_377 = tpu.memref_slice %arg13[%dma_start3A_368] : memref<12x!tpu.dma_semaphore, #tpu.memory_space<semaphore_mem>> -> memref<1x!tpu.dma_semaphore, #tpu.memory_space<semaphore_mem>>
        %dma_start3A_378 = tpu.memref_squeeze %dma_start3A_377 : memref<1x!tpu.dma_semaphore, #tpu.memory_space<semaphore_mem>> -> memref<!tpu.dma_semaphore, #tpu.memory_space<semaphore_mem>>
        tpu.enqueue_indirect_dma source(%dma_start3A_376 : memref<514x768xf32, #tpu.memory_space<hbm>>) target(%dma_start3A_372 : memref<32x768xf32, #tpu.memory_space<vmem>>) offsets(%dma_start3A_373 : memref<32xi32, #tpu.memory_space<vmem>>) semaphore(%dma_start3A_378 : memref<!tpu.dma_semaphore, #tpu.memory_space<semaphore_mem>>) {add = true}
      } else {
      }
      %mul3A_123 = arith.constant 32 : i32
      %mul3A_124 = arith.muli %add3A_105, %mul3A_123 : i32
      %dma_wait3A_125 = arith.constant 0 : i32
      %dma_wait3A_126 = arith.constant 4 : i32
      %dma_wait3A_127 = arith.constant 0 : i32
      %dma_wait3A_128 = arith.constant 0 : i32
      %dma_wait3A_129 = tpu.memref_slice %arg10[%dma_wait3A_125, %dma_wait3A_127, %dma_wait3A_128] : memref<4x32x768xf32, #tpu.memory_space<vmem>> -> memref<1x32x768xf32, #tpu.memory_space<vmem>>
      %dma_wait3A_130 = tpu.memref_squeeze %dma_wait3A_129 : memref<1x32x768xf32, #tpu.memory_space<vmem>> -> memref<32x768xf32, #tpu.memory_space<vmem>>
      %dma_wait3A_131 = tpu.memref_slice %arg9[%mul3A_124] : memref<6400xi32, #tpu.memory_space<vmem>> -> memref<32xi32, #tpu.memory_space<vmem>>
      %dma_wait3A_132 = arith.constant 0 : i32
      %dma_wait3A_133 = arith.constant 0 : i32
      %dma_wait3A_134 = tpu.memref_slice %arg4[%dma_wait3A_132, %dma_wait3A_133] : memref<514x768xf32, #tpu.memory_space<hbm>> -> memref<514x768xf32, #tpu.memory_space<hbm>>
      %dma_wait3A_135 = tpu.memref_slice %arg13[%dma_wait3A_126] : memref<12x!tpu.dma_semaphore, #tpu.memory_space<semaphore_mem>> -> memref<1x!tpu.dma_semaphore, #tpu.memory_space<semaphore_mem>>
      %dma_wait3A_136 = tpu.memref_squeeze %dma_wait3A_135 : memref<1x!tpu.dma_semaphore, #tpu.memory_space<semaphore_mem>> -> memref<!tpu.dma_semaphore, #tpu.memory_space<semaphore_mem>>
      tpu.wait_indirect_dma semaphore(%dma_wait3A_136 : memref<!tpu.dma_semaphore, #tpu.memory_space<semaphore_mem>>) src(%dma_wait3A_134 : memref<514x768xf32, #tpu.memory_space<hbm>>) dst(%dma_wait3A_130 : memref<32x768xf32, #tpu.memory_space<vmem>>)
      %mul3A_137 = arith.constant 32 : i32
      %mul3A_138 = arith.muli %add3A_105, %mul3A_137 : i32
      %add3A_139 = arith.addi %mul3A_2, %mul3A_138 : i32
      %dma_start3A_140 = arith.constant 0 : i32
      %dma_start3A_141 = arith.constant 8 : i32
      %dma_start3A_142 = arith.constant 0 : i32
      %dma_start3A_143 = arith.constant 0 : i32
      %dma_start3A_144 = tpu.memref_slice %arg10[%dma_start3A_140, %dma_start3A_142, %dma_start3A_143] : memref<4x32x768xf32, #tpu.memory_space<vmem>> -> memref<1x32x768xf32, #tpu.memory_space<vmem>>
      %dma_start3A_145 = tpu.memref_squeeze %dma_start3A_144 : memref<1x32x768xf32, #tpu.memory_space<vmem>> -> memref<32x768xf32, #tpu.memory_space<vmem>>
      %dma_start3A_146 = arith.constant 0 : i32
      %dma_start3A_147 = tpu.memref_slice %arg7[%add3A_139, %dma_start3A_146] : memref<204800x768xf32, #tpu.memory_space<hbm>> -> memref<32x768xf32, #tpu.memory_space<hbm>>
      %dma_start3A_148 = tpu.memref_slice %arg13[%dma_start3A_141] : memref<12x!tpu.dma_semaphore, #tpu.memory_space<semaphore_mem>> -> memref<1x!tpu.dma_semaphore, #tpu.memory_space<semaphore_mem>>
      %dma_start3A_149 = tpu.memref_squeeze %dma_start3A_148 : memref<1x!tpu.dma_semaphore, #tpu.memory_space<semaphore_mem>> -> memref<!tpu.dma_semaphore, #tpu.memory_space<semaphore_mem>>
      %dma_start3A_150 = arith.constant 0 : i32
      %dma_start3A_151 = tpu.memref_slice %arg7[%add3A_139, %dma_start3A_150] : memref<204800x768xf32, #tpu.memory_space<hbm>> -> memref<32x768xf32, #tpu.memory_space<hbm>>
      %dma_start3A_152 = arith.constant 0 : i32
      %dma_start3A_153 = arith.constant 0 : i32
      %dma_start3A_154 = tpu.memref_slice %arg10[%dma_start3A_140, %dma_start3A_152, %dma_start3A_153] : memref<4x32x768xf32, #tpu.memory_space<vmem>> -> memref<1x32x768xf32, #tpu.memory_space<vmem>>
      %dma_start3A_155 = tpu.memref_squeeze %dma_start3A_154 : memref<1x32x768xf32, #tpu.memory_space<vmem>> -> memref<32x768xf32, #tpu.memory_space<vmem>>
      tpu.enqueue_dma source(%dma_start3A_155 : memref<32x768xf32, #tpu.memory_space<vmem>>) target(%dma_start3A_151 : memref<32x768xf32, #tpu.memory_space<hbm>>) target_semaphore(%dma_start3A_149 : memref<!tpu.dma_semaphore, #tpu.memory_space<semaphore_mem>>)
      %mul3A_156 = arith.constant 4 : i32
      %mul3A_157 = arith.muli %scan3A_100, %mul3A_156 : i32
      %add3A_158 = arith.constant 1 : i32
      %add3A_159 = arith.addi %mul3A_157, %add3A_158 : i32
      %ge3A_160 = arith.constant 1 : i32
      %ge3A_161 = arith.cmpi sge, %scan3A_100, %ge3A_160 : i32
      %convert_element_type3A_162 = arith.extui %ge3A_161 : i1 to i32
      %cond3A_163 = arith.constant 0 : i32
      %cond3A_164 = arith.cmpi ne, %convert_element_type3A_162, %cond3A_163 : i32
      scf.if %cond3A_164 {
        %dma_wait3A_347 = arith.constant 3 : i32
        %dma_wait3A_348 = arith.constant 11 : i32
        %dma_wait3A_349 = arith.constant 0 : i32
        %dma_wait3A_350 = arith.constant 0 : i32
        %dma_wait3A_351 = tpu.memref_slice %arg10[%dma_wait3A_347, %dma_wait3A_349, %dma_wait3A_350] : memref<4x32x768xf32, #tpu.memory_space<vmem>> -> memref<1x32x768xf32, #tpu.memory_space<vmem>>
        %dma_wait3A_352 = tpu.memref_squeeze %dma_wait3A_351 : memref<1x32x768xf32, #tpu.memory_space<vmem>> -> memref<32x768xf32, #tpu.memory_space<vmem>>
        %dma_wait3A_353 = arith.constant 0 : i32
        %dma_wait3A_354 = tpu.memref_slice %arg7[%mul3A_2, %dma_wait3A_353] : memref<204800x768xf32, #tpu.memory_space<hbm>> -> memref<32x768xf32, #tpu.memory_space<hbm>>
        %dma_wait3A_355 = tpu.memref_slice %arg13[%dma_wait3A_348] : memref<12x!tpu.dma_semaphore, #tpu.memory_space<semaphore_mem>> -> memref<1x!tpu.dma_semaphore, #tpu.memory_space<semaphore_mem>>
        %dma_wait3A_356 = tpu.memref_squeeze %dma_wait3A_355 : memref<1x!tpu.dma_semaphore, #tpu.memory_space<semaphore_mem>> -> memref<!tpu.dma_semaphore, #tpu.memory_space<semaphore_mem>>
        %dma_wait3A_357 = arith.constant 0 : i32
        %dma_wait3A_358 = tpu.memref_slice %arg7[%mul3A_2, %dma_wait3A_357] : memref<204800x768xf32, #tpu.memory_space<hbm>> -> memref<32x768xf32, #tpu.memory_space<hbm>>
        %dma_wait3A_359 = arith.constant 0 : i32
        %dma_wait3A_360 = arith.constant 0 : i32
        %dma_wait3A_361 = tpu.memref_slice %arg10[%dma_wait3A_347, %dma_wait3A_359, %dma_wait3A_360] : memref<4x32x768xf32, #tpu.memory_space<vmem>> -> memref<1x32x768xf32, #tpu.memory_space<vmem>>
        %dma_wait3A_362 = tpu.memref_squeeze %dma_wait3A_361 : memref<1x32x768xf32, #tpu.memory_space<vmem>> -> memref<32x768xf32, #tpu.memory_space<vmem>>
        tpu.wait_dma2 semaphore(%dma_wait3A_356 : memref<!tpu.dma_semaphore, #tpu.memory_space<semaphore_mem>>) src(%dma_wait3A_362 : memref<32x768xf32, #tpu.memory_space<vmem>>) dst(%dma_wait3A_358 : memref<32x768xf32, #tpu.memory_space<hbm>>)
      } else {
      }
      %add3A_165 = arith.constant 2 : i32
      %add3A_166 = arith.addi %add3A_159, %add3A_165 : i32
      %lt3A_167 = arith.constant 200 : i32
      %lt3A_168 = arith.cmpi slt, %add3A_166, %lt3A_167 : i32
      %convert_element_type3A_169 = arith.extui %lt3A_168 : i1 to i32
      %cond3A_170 = arith.constant 0 : i32
      %cond3A_171 = arith.cmpi ne, %convert_element_type3A_169, %cond3A_170 : i32
      scf.if %cond3A_171 {
        %add3A_347 = arith.constant 2 : i32
        %add3A_348 = arith.addi %add3A_159, %add3A_347 : i32
        %mul3A_349 = arith.constant 32 : i32
        %mul3A_350 = arith.muli %add3A_348, %mul3A_349 : i32
        %dma_start3A_351 = arith.constant 3 : i32
        %dma_start3A_352 = arith.constant 3 : i32
        %dma_start3A_353 = arith.constant 0 : i32
        %dma_start3A_354 = arith.constant 0 : i32
        %dma_start3A_355 = tpu.memref_slice %arg10[%dma_start3A_351, %dma_start3A_353, %dma_start3A_354] : memref<4x32x768xf32, #tpu.memory_space<vmem>> -> memref<1x32x768xf32, #tpu.memory_space<vmem>>
        %dma_start3A_356 = tpu.memref_squeeze %dma_start3A_355 : memref<1x32x768xf32, #tpu.memory_space<vmem>> -> memref<32x768xf32, #tpu.memory_space<vmem>>
        %dma_start3A_357 = tpu.memref_slice %arg8[%mul3A_350] : memref<6400xi32, #tpu.memory_space<vmem>> -> memref<32xi32, #tpu.memory_space<vmem>>
        %dma_start3A_358 = arith.constant 0 : i32
        %dma_start3A_359 = arith.constant 0 : i32
        %dma_start3A_360 = tpu.memref_slice %arg3[%dma_start3A_358, %dma_start3A_359] : memref<50265x768xf32, #tpu.memory_space<hbm>> -> memref<50265x768xf32, #tpu.memory_space<hbm>>
        %dma_start3A_361 = tpu.memref_slice %arg13[%dma_start3A_352] : memref<12x!tpu.dma_semaphore, #tpu.memory_space<semaphore_mem>> -> memref<1x!tpu.dma_semaphore, #tpu.memory_space<semaphore_mem>>
        %dma_start3A_362 = tpu.memref_squeeze %dma_start3A_361 : memref<1x!tpu.dma_semaphore, #tpu.memory_space<semaphore_mem>> -> memref<!tpu.dma_semaphore, #tpu.memory_space<semaphore_mem>>
        tpu.enqueue_indirect_dma source(%dma_start3A_360 : memref<50265x768xf32, #tpu.memory_space<hbm>>) target(%dma_start3A_356 : memref<32x768xf32, #tpu.memory_space<vmem>>) offsets(%dma_start3A_357 : memref<32xi32, #tpu.memory_space<vmem>>) semaphore(%dma_start3A_362 : memref<!tpu.dma_semaphore, #tpu.memory_space<semaphore_mem>>)
      } else {
      }
      %add3A_172 = arith.constant 1 : i32
      %add3A_173 = arith.addi %add3A_159, %add3A_172 : i32
      %lt3A_174 = arith.constant 200 : i32
      %lt3A_175 = arith.cmpi slt, %add3A_173, %lt3A_174 : i32
      %convert_element_type3A_176 = arith.extui %lt3A_175 : i1 to i32
      %cond3A_177 = arith.constant 0 : i32
      %cond3A_178 = arith.cmpi ne, %convert_element_type3A_176, %cond3A_177 : i32
      scf.if %cond3A_178 {
        %add3A_347 = arith.constant 1 : i32
        %add3A_348 = arith.addi %add3A_159, %add3A_347 : i32
        %mul3A_349 = arith.constant 32 : i32
        %mul3A_350 = arith.muli %add3A_348, %mul3A_349 : i32
        %dma_wait3A_351 = arith.constant 2 : i32
        %dma_wait3A_352 = arith.constant 2 : i32
        %dma_wait3A_353 = arith.constant 0 : i32
        %dma_wait3A_354 = arith.constant 0 : i32
        %dma_wait3A_355 = tpu.memref_slice %arg10[%dma_wait3A_351, %dma_wait3A_353, %dma_wait3A_354] : memref<4x32x768xf32, #tpu.memory_space<vmem>> -> memref<1x32x768xf32, #tpu.memory_space<vmem>>
        %dma_wait3A_356 = tpu.memref_squeeze %dma_wait3A_355 : memref<1x32x768xf32, #tpu.memory_space<vmem>> -> memref<32x768xf32, #tpu.memory_space<vmem>>
        %dma_wait3A_357 = tpu.memref_slice %arg8[%mul3A_350] : memref<6400xi32, #tpu.memory_space<vmem>> -> memref<32xi32, #tpu.memory_space<vmem>>
        %dma_wait3A_358 = arith.constant 0 : i32
        %dma_wait3A_359 = arith.constant 0 : i32
        %dma_wait3A_360 = tpu.memref_slice %arg3[%dma_wait3A_358, %dma_wait3A_359] : memref<50265x768xf32, #tpu.memory_space<hbm>> -> memref<50265x768xf32, #tpu.memory_space<hbm>>
        %dma_wait3A_361 = tpu.memref_slice %arg13[%dma_wait3A_352] : memref<12x!tpu.dma_semaphore, #tpu.memory_space<semaphore_mem>> -> memref<1x!tpu.dma_semaphore, #tpu.memory_space<semaphore_mem>>
        %dma_wait3A_362 = tpu.memref_squeeze %dma_wait3A_361 : memref<1x!tpu.dma_semaphore, #tpu.memory_space<semaphore_mem>> -> memref<!tpu.dma_semaphore, #tpu.memory_space<semaphore_mem>>
        tpu.wait_indirect_dma semaphore(%dma_wait3A_362 : memref<!tpu.dma_semaphore, #tpu.memory_space<semaphore_mem>>) src(%dma_wait3A_360 : memref<50265x768xf32, #tpu.memory_space<hbm>>) dst(%dma_wait3A_356 : memref<32x768xf32, #tpu.memory_space<vmem>>)
        %add3A_363 = arith.constant 1 : i32
        %add3A_364 = arith.addi %add3A_159, %add3A_363 : i32
        %mul3A_365 = arith.constant 32 : i32
        %mul3A_366 = arith.muli %add3A_364, %mul3A_365 : i32
        %dma_start3A_367 = arith.constant 2 : i32
        %dma_start3A_368 = arith.constant 6 : i32
        %dma_start3A_369 = arith.constant 0 : i32
        %dma_start3A_370 = arith.constant 0 : i32
        %dma_start3A_371 = tpu.memref_slice %arg10[%dma_start3A_367, %dma_start3A_369, %dma_start3A_370] : memref<4x32x768xf32, #tpu.memory_space<vmem>> -> memref<1x32x768xf32, #tpu.memory_space<vmem>>
        %dma_start3A_372 = tpu.memref_squeeze %dma_start3A_371 : memref<1x32x768xf32, #tpu.memory_space<vmem>> -> memref<32x768xf32, #tpu.memory_space<vmem>>
        %dma_start3A_373 = tpu.memref_slice %arg9[%mul3A_366] : memref<6400xi32, #tpu.memory_space<vmem>> -> memref<32xi32, #tpu.memory_space<vmem>>
        %dma_start3A_374 = arith.constant 0 : i32
        %dma_start3A_375 = arith.constant 0 : i32
        %dma_start3A_376 = tpu.memref_slice %arg4[%dma_start3A_374, %dma_start3A_375] : memref<514x768xf32, #tpu.memory_space<hbm>> -> memref<514x768xf32, #tpu.memory_space<hbm>>
        %dma_start3A_377 = tpu.memref_slice %arg13[%dma_start3A_368] : memref<12x!tpu.dma_semaphore, #tpu.memory_space<semaphore_mem>> -> memref<1x!tpu.dma_semaphore, #tpu.memory_space<semaphore_mem>>
        %dma_start3A_378 = tpu.memref_squeeze %dma_start3A_377 : memref<1x!tpu.dma_semaphore, #tpu.memory_space<semaphore_mem>> -> memref<!tpu.dma_semaphore, #tpu.memory_space<semaphore_mem>>
        tpu.enqueue_indirect_dma source(%dma_start3A_376 : memref<514x768xf32, #tpu.memory_space<hbm>>) target(%dma_start3A_372 : memref<32x768xf32, #tpu.memory_space<vmem>>) offsets(%dma_start3A_373 : memref<32xi32, #tpu.memory_space<vmem>>) semaphore(%dma_start3A_378 : memref<!tpu.dma_semaphore, #tpu.memory_space<semaphore_mem>>) {add = true}
      } else {
      }
      %mul3A_179 = arith.constant 32 : i32
      %mul3A_180 = arith.muli %add3A_159, %mul3A_179 : i32
      %dma_wait3A_181 = arith.constant 1 : i32
      %dma_wait3A_182 = arith.constant 5 : i32
      %dma_wait3A_183 = arith.constant 0 : i32
      %dma_wait3A_184 = arith.constant 0 : i32
      %dma_wait3A_185 = tpu.memref_slice %arg10[%dma_wait3A_181, %dma_wait3A_183, %dma_wait3A_184] : memref<4x32x768xf32, #tpu.memory_space<vmem>> -> memref<1x32x768xf32, #tpu.memory_space<vmem>>
      %dma_wait3A_186 = tpu.memref_squeeze %dma_wait3A_185 : memref<1x32x768xf32, #tpu.memory_space<vmem>> -> memref<32x768xf32, #tpu.memory_space<vmem>>
      %dma_wait3A_187 = tpu.memref_slice %arg9[%mul3A_180] : memref<6400xi32, #tpu.memory_space<vmem>> -> memref<32xi32, #tpu.memory_space<vmem>>
      %dma_wait3A_188 = arith.constant 0 : i32
      %dma_wait3A_189 = arith.constant 0 : i32
      %dma_wait3A_190 = tpu.memref_slice %arg4[%dma_wait3A_188, %dma_wait3A_189] : memref<514x768xf32, #tpu.memory_space<hbm>> -> memref<514x768xf32, #tpu.memory_space<hbm>>
      %dma_wait3A_191 = tpu.memref_slice %arg13[%dma_wait3A_182] : memref<12x!tpu.dma_semaphore, #tpu.memory_space<semaphore_mem>> -> memref<1x!tpu.dma_semaphore, #tpu.memory_space<semaphore_mem>>
      %dma_wait3A_192 = tpu.memref_squeeze %dma_wait3A_191 : memref<1x!tpu.dma_semaphore, #tpu.memory_space<semaphore_mem>> -> memref<!tpu.dma_semaphore, #tpu.memory_space<semaphore_mem>>
      tpu.wait_indirect_dma semaphore(%dma_wait3A_192 : memref<!tpu.dma_semaphore, #tpu.memory_space<semaphore_mem>>) src(%dma_wait3A_190 : memref<514x768xf32, #tpu.memory_space<hbm>>) dst(%dma_wait3A_186 : memref<32x768xf32, #tpu.memory_space<vmem>>)
      %mul3A_193 = arith.constant 32 : i32
      %mul3A_194 = arith.muli %add3A_159, %mul3A_193 : i32
      %add3A_195 = arith.addi %mul3A_2, %mul3A_194 : i32
      %dma_start3A_196 = arith.constant 1 : i32
      %dma_start3A_197 = arith.constant 9 : i32
      %dma_start3A_198 = arith.constant 0 : i32
      %dma_start3A_199 = arith.constant 0 : i32
      %dma_start3A_200 = tpu.memref_slice %arg10[%dma_start3A_196, %dma_start3A_198, %dma_start3A_199] : memref<4x32x768xf32, #tpu.memory_space<vmem>> -> memref<1x32x768xf32, #tpu.memory_space<vmem>>
      %dma_start3A_201 = tpu.memref_squeeze %dma_start3A_200 : memref<1x32x768xf32, #tpu.memory_space<vmem>> -> memref<32x768xf32, #tpu.memory_space<vmem>>
      %dma_start3A_202 = arith.constant 0 : i32
      %dma_start3A_203 = tpu.memref_slice %arg7[%add3A_195, %dma_start3A_202] : memref<204800x768xf32, #tpu.memory_space<hbm>> -> memref<32x768xf32, #tpu.memory_space<hbm>>
      %dma_start3A_204 = tpu.memref_slice %arg13[%dma_start3A_197] : memref<12x!tpu.dma_semaphore, #tpu.memory_space<semaphore_mem>> -> memref<1x!tpu.dma_semaphore, #tpu.memory_space<semaphore_mem>>
      %dma_start3A_205 = tpu.memref_squeeze %dma_start3A_204 : memref<1x!tpu.dma_semaphore, #tpu.memory_space<semaphore_mem>> -> memref<!tpu.dma_semaphore, #tpu.memory_space<semaphore_mem>>
      %dma_start3A_206 = arith.constant 0 : i32
      %dma_start3A_207 = tpu.memref_slice %arg7[%add3A_195, %dma_start3A_206] : memref<204800x768xf32, #tpu.memory_space<hbm>> -> memref<32x768xf32, #tpu.memory_space<hbm>>
      %dma_start3A_208 = arith.constant 0 : i32
      %dma_start3A_209 = arith.constant 0 : i32
      %dma_start3A_210 = tpu.memref_slice %arg10[%dma_start3A_196, %dma_start3A_208, %dma_start3A_209] : memref<4x32x768xf32, #tpu.memory_space<vmem>> -> memref<1x32x768xf32, #tpu.memory_space<vmem>>
      %dma_start3A_211 = tpu.memref_squeeze %dma_start3A_210 : memref<1x32x768xf32, #tpu.memory_space<vmem>> -> memref<32x768xf32, #tpu.memory_space<vmem>>
      tpu.enqueue_dma source(%dma_start3A_211 : memref<32x768xf32, #tpu.memory_space<vmem>>) target(%dma_start3A_207 : memref<32x768xf32, #tpu.memory_space<hbm>>) target_semaphore(%dma_start3A_205 : memref<!tpu.dma_semaphore, #tpu.memory_space<semaphore_mem>>)
      %mul3A_212 = arith.constant 4 : i32
      %mul3A_213 = arith.muli %scan3A_100, %mul3A_212 : i32
      %add3A_214 = arith.constant 2 : i32
      %add3A_215 = arith.addi %mul3A_213, %add3A_214 : i32
      %dma_wait3A_216 = arith.constant 0 : i32
      %dma_wait3A_217 = arith.constant 8 : i32
      %dma_wait3A_218 = arith.constant 0 : i32
      %dma_wait3A_219 = arith.constant 0 : i32
      %dma_wait3A_220 = tpu.memref_slice %arg10[%dma_wait3A_216, %dma_wait3A_218, %dma_wait3A_219] : memref<4x32x768xf32, #tpu.memory_space<vmem>> -> memref<1x32x768xf32, #tpu.memory_space<vmem>>
      %dma_wait3A_221 = tpu.memref_squeeze %dma_wait3A_220 : memref<1x32x768xf32, #tpu.memory_space<vmem>> -> memref<32x768xf32, #tpu.memory_space<vmem>>
      %dma_wait3A_222 = arith.constant 0 : i32
      %dma_wait3A_223 = tpu.memref_slice %arg7[%mul3A_2, %dma_wait3A_222] : memref<204800x768xf32, #tpu.memory_space<hbm>> -> memref<32x768xf32, #tpu.memory_space<hbm>>
      %dma_wait3A_224 = tpu.memref_slice %arg13[%dma_wait3A_217] : memref<12x!tpu.dma_semaphore, #tpu.memory_space<semaphore_mem>> -> memref<1x!tpu.dma_semaphore, #tpu.memory_space<semaphore_mem>>
      %dma_wait3A_225 = tpu.memref_squeeze %dma_wait3A_224 : memref<1x!tpu.dma_semaphore, #tpu.memory_space<semaphore_mem>> -> memref<!tpu.dma_semaphore, #tpu.memory_space<semaphore_mem>>
      %dma_wait3A_226 = arith.constant 0 : i32
      %dma_wait3A_227 = tpu.memref_slice %arg7[%mul3A_2, %dma_wait3A_226] : memref<204800x768xf32, #tpu.memory_space<hbm>> -> memref<32x768xf32, #tpu.memory_space<hbm>>
      %dma_wait3A_228 = arith.constant 0 : i32
      %dma_wait3A_229 = arith.constant 0 : i32
      %dma_wait3A_230 = tpu.memref_slice %arg10[%dma_wait3A_216, %dma_wait3A_228, %dma_wait3A_229] : memref<4x32x768xf32, #tpu.memory_space<vmem>> -> memref<1x32x768xf32, #tpu.memory_space<vmem>>
      %dma_wait3A_231 = tpu.memref_squeeze %dma_wait3A_230 : memref<1x32x768xf32, #tpu.memory_space<vmem>> -> memref<32x768xf32, #tpu.memory_space<vmem>>
      tpu.wait_dma2 semaphore(%dma_wait3A_225 : memref<!tpu.dma_semaphore, #tpu.memory_space<semaphore_mem>>) src(%dma_wait3A_231 : memref<32x768xf32, #tpu.memory_space<vmem>>) dst(%dma_wait3A_227 : memref<32x768xf32, #tpu.memory_space<hbm>>)
      %add3A_232 = arith.constant 2 : i32
      %add3A_233 = arith.addi %add3A_215, %add3A_232 : i32
      %lt3A_234 = arith.constant 200 : i32
      %lt3A_235 = arith.cmpi slt, %add3A_233, %lt3A_234 : i32
      %convert_element_type3A_236 = arith.extui %lt3A_235 : i1 to i32
      %cond3A_237 = arith.constant 0 : i32
      %cond3A_238 = arith.cmpi ne, %convert_element_type3A_236, %cond3A_237 : i32
      scf.if %cond3A_238 {
        %add3A_347 = arith.constant 2 : i32
        %add3A_348 = arith.addi %add3A_215, %add3A_347 : i32
        %mul3A_349 = arith.constant 32 : i32
        %mul3A_350 = arith.muli %add3A_348, %mul3A_349 : i32
        %dma_start3A_351 = arith.constant 0 : i32
        %dma_start3A_352 = arith.constant 0 : i32
        %dma_start3A_353 = arith.constant 0 : i32
        %dma_start3A_354 = arith.constant 0 : i32
        %dma_start3A_355 = tpu.memref_slice %arg10[%dma_start3A_351, %dma_start3A_353, %dma_start3A_354] : memref<4x32x768xf32, #tpu.memory_space<vmem>> -> memref<1x32x768xf32, #tpu.memory_space<vmem>>
        %dma_start3A_356 = tpu.memref_squeeze %dma_start3A_355 : memref<1x32x768xf32, #tpu.memory_space<vmem>> -> memref<32x768xf32, #tpu.memory_space<vmem>>
        %dma_start3A_357 = tpu.memref_slice %arg8[%mul3A_350] : memref<6400xi32, #tpu.memory_space<vmem>> -> memref<32xi32, #tpu.memory_space<vmem>>
        %dma_start3A_358 = arith.constant 0 : i32
        %dma_start3A_359 = arith.constant 0 : i32
        %dma_start3A_360 = tpu.memref_slice %arg3[%dma_start3A_358, %dma_start3A_359] : memref<50265x768xf32, #tpu.memory_space<hbm>> -> memref<50265x768xf32, #tpu.memory_space<hbm>>
        %dma_start3A_361 = tpu.memref_slice %arg13[%dma_start3A_352] : memref<12x!tpu.dma_semaphore, #tpu.memory_space<semaphore_mem>> -> memref<1x!tpu.dma_semaphore, #tpu.memory_space<semaphore_mem>>
        %dma_start3A_362 = tpu.memref_squeeze %dma_start3A_361 : memref<1x!tpu.dma_semaphore, #tpu.memory_space<semaphore_mem>> -> memref<!tpu.dma_semaphore, #tpu.memory_space<semaphore_mem>>
        tpu.enqueue_indirect_dma source(%dma_start3A_360 : memref<50265x768xf32, #tpu.memory_space<hbm>>) target(%dma_start3A_356 : memref<32x768xf32, #tpu.memory_space<vmem>>) offsets(%dma_start3A_357 : memref<32xi32, #tpu.memory_space<vmem>>) semaphore(%dma_start3A_362 : memref<!tpu.dma_semaphore, #tpu.memory_space<semaphore_mem>>)
      } else {
      }
      %add3A_239 = arith.constant 1 : i32
      %add3A_240 = arith.addi %add3A_215, %add3A_239 : i32
      %lt3A_241 = arith.constant 200 : i32
      %lt3A_242 = arith.cmpi slt, %add3A_240, %lt3A_241 : i32
      %convert_element_type3A_243 = arith.extui %lt3A_242 : i1 to i32
      %cond3A_244 = arith.constant 0 : i32
      %cond3A_245 = arith.cmpi ne, %convert_element_type3A_243, %cond3A_244 : i32
      scf.if %cond3A_245 {
        %add3A_347 = arith.constant 1 : i32
        %add3A_348 = arith.addi %add3A_215, %add3A_347 : i32
        %mul3A_349 = arith.constant 32 : i32
        %mul3A_350 = arith.muli %add3A_348, %mul3A_349 : i32
        %dma_wait3A_351 = arith.constant 3 : i32
        %dma_wait3A_352 = arith.constant 3 : i32
        %dma_wait3A_353 = arith.constant 0 : i32
        %dma_wait3A_354 = arith.constant 0 : i32
        %dma_wait3A_355 = tpu.memref_slice %arg10[%dma_wait3A_351, %dma_wait3A_353, %dma_wait3A_354] : memref<4x32x768xf32, #tpu.memory_space<vmem>> -> memref<1x32x768xf32, #tpu.memory_space<vmem>>
        %dma_wait3A_356 = tpu.memref_squeeze %dma_wait3A_355 : memref<1x32x768xf32, #tpu.memory_space<vmem>> -> memref<32x768xf32, #tpu.memory_space<vmem>>
        %dma_wait3A_357 = tpu.memref_slice %arg8[%mul3A_350] : memref<6400xi32, #tpu.memory_space<vmem>> -> memref<32xi32, #tpu.memory_space<vmem>>
        %dma_wait3A_358 = arith.constant 0 : i32
        %dma_wait3A_359 = arith.constant 0 : i32
        %dma_wait3A_360 = tpu.memref_slice %arg3[%dma_wait3A_358, %dma_wait3A_359] : memref<50265x768xf32, #tpu.memory_space<hbm>> -> memref<50265x768xf32, #tpu.memory_space<hbm>>
        %dma_wait3A_361 = tpu.memref_slice %arg13[%dma_wait3A_352] : memref<12x!tpu.dma_semaphore, #tpu.memory_space<semaphore_mem>> -> memref<1x!tpu.dma_semaphore, #tpu.memory_space<semaphore_mem>>
        %dma_wait3A_362 = tpu.memref_squeeze %dma_wait3A_361 : memref<1x!tpu.dma_semaphore, #tpu.memory_space<semaphore_mem>> -> memref<!tpu.dma_semaphore, #tpu.memory_space<semaphore_mem>>
        tpu.wait_indirect_dma semaphore(%dma_wait3A_362 : memref<!tpu.dma_semaphore, #tpu.memory_space<semaphore_mem>>) src(%dma_wait3A_360 : memref<50265x768xf32, #tpu.memory_space<hbm>>) dst(%dma_wait3A_356 : memref<32x768xf32, #tpu.memory_space<vmem>>)
        %add3A_363 = arith.constant 1 : i32
        %add3A_364 = arith.addi %add3A_215, %add3A_363 : i32
        %mul3A_365 = arith.constant 32 : i32
        %mul3A_366 = arith.muli %add3A_364, %mul3A_365 : i32
        %dma_start3A_367 = arith.constant 3 : i32
        %dma_start3A_368 = arith.constant 7 : i32
        %dma_start3A_369 = arith.constant 0 : i32
        %dma_start3A_370 = arith.constant 0 : i32
        %dma_start3A_371 = tpu.memref_slice %arg10[%dma_start3A_367, %dma_start3A_369, %dma_start3A_370] : memref<4x32x768xf32, #tpu.memory_space<vmem>> -> memref<1x32x768xf32, #tpu.memory_space<vmem>>
        %dma_start3A_372 = tpu.memref_squeeze %dma_start3A_371 : memref<1x32x768xf32, #tpu.memory_space<vmem>> -> memref<32x768xf32, #tpu.memory_space<vmem>>
        %dma_start3A_373 = tpu.memref_slice %arg9[%mul3A_366] : memref<6400xi32, #tpu.memory_space<vmem>> -> memref<32xi32, #tpu.memory_space<vmem>>
        %dma_start3A_374 = arith.constant 0 : i32
        %dma_start3A_375 = arith.constant 0 : i32
        %dma_start3A_376 = tpu.memref_slice %arg4[%dma_start3A_374, %dma_start3A_375] : memref<514x768xf32, #tpu.memory_space<hbm>> -> memref<514x768xf32, #tpu.memory_space<hbm>>
        %dma_start3A_377 = tpu.memref_slice %arg13[%dma_start3A_368] : memref<12x!tpu.dma_semaphore, #tpu.memory_space<semaphore_mem>> -> memref<1x!tpu.dma_semaphore, #tpu.memory_space<semaphore_mem>>
        %dma_start3A_378 = tpu.memref_squeeze %dma_start3A_377 : memref<1x!tpu.dma_semaphore, #tpu.memory_space<semaphore_mem>> -> memref<!tpu.dma_semaphore, #tpu.memory_space<semaphore_mem>>
        tpu.enqueue_indirect_dma source(%dma_start3A_376 : memref<514x768xf32, #tpu.memory_space<hbm>>) target(%dma_start3A_372 : memref<32x768xf32, #tpu.memory_space<vmem>>) offsets(%dma_start3A_373 : memref<32xi32, #tpu.memory_space<vmem>>) semaphore(%dma_start3A_378 : memref<!tpu.dma_semaphore, #tpu.memory_space<semaphore_mem>>) {add = true}
      } else {
      }
      %mul3A_246 = arith.constant 32 : i32
      %mul3A_247 = arith.muli %add3A_215, %mul3A_246 : i32
      %dma_wait3A_248 = arith.constant 2 : i32
      %dma_wait3A_249 = arith.constant 6 : i32
      %dma_wait3A_250 = arith.constant 0 : i32
      %dma_wait3A_251 = arith.constant 0 : i32
      %dma_wait3A_252 = tpu.memref_slice %arg10[%dma_wait3A_248, %dma_wait3A_250, %dma_wait3A_251] : memref<4x32x768xf32, #tpu.memory_space<vmem>> -> memref<1x32x768xf32, #tpu.memory_space<vmem>>
      %dma_wait3A_253 = tpu.memref_squeeze %dma_wait3A_252 : memref<1x32x768xf32, #tpu.memory_space<vmem>> -> memref<32x768xf32, #tpu.memory_space<vmem>>
      %dma_wait3A_254 = tpu.memref_slice %arg9[%mul3A_247] : memref<6400xi32, #tpu.memory_space<vmem>> -> memref<32xi32, #tpu.memory_space<vmem>>
      %dma_wait3A_255 = arith.constant 0 : i32
      %dma_wait3A_256 = arith.constant 0 : i32
      %dma_wait3A_257 = tpu.memref_slice %arg4[%dma_wait3A_255, %dma_wait3A_256] : memref<514x768xf32, #tpu.memory_space<hbm>> -> memref<514x768xf32, #tpu.memory_space<hbm>>
      %dma_wait3A_258 = tpu.memref_slice %arg13[%dma_wait3A_249] : memref<12x!tpu.dma_semaphore, #tpu.memory_space<semaphore_mem>> -> memref<1x!tpu.dma_semaphore, #tpu.memory_space<semaphore_mem>>
      %dma_wait3A_259 = tpu.memref_squeeze %dma_wait3A_258 : memref<1x!tpu.dma_semaphore, #tpu.memory_space<semaphore_mem>> -> memref<!tpu.dma_semaphore, #tpu.memory_space<semaphore_mem>>
      tpu.wait_indirect_dma semaphore(%dma_wait3A_259 : memref<!tpu.dma_semaphore, #tpu.memory_space<semaphore_mem>>) src(%dma_wait3A_257 : memref<514x768xf32, #tpu.memory_space<hbm>>) dst(%dma_wait3A_253 : memref<32x768xf32, #tpu.memory_space<vmem>>)
      %mul3A_260 = arith.constant 32 : i32
      %mul3A_261 = arith.muli %add3A_215, %mul3A_260 : i32
      %add3A_262 = arith.addi %mul3A_2, %mul3A_261 : i32
      %dma_start3A_263 = arith.constant 2 : i32
      %dma_start3A_264 = arith.constant 10 : i32
      %dma_start3A_265 = arith.constant 0 : i32
      %dma_start3A_266 = arith.constant 0 : i32
      %dma_start3A_267 = tpu.memref_slice %arg10[%dma_start3A_263, %dma_start3A_265, %dma_start3A_266] : memref<4x32x768xf32, #tpu.memory_space<vmem>> -> memref<1x32x768xf32, #tpu.memory_space<vmem>>
      %dma_start3A_268 = tpu.memref_squeeze %dma_start3A_267 : memref<1x32x768xf32, #tpu.memory_space<vmem>> -> memref<32x768xf32, #tpu.memory_space<vmem>>
      %dma_start3A_269 = arith.constant 0 : i32
      %dma_start3A_270 = tpu.memref_slice %arg7[%add3A_262, %dma_start3A_269] : memref<204800x768xf32, #tpu.memory_space<hbm>> -> memref<32x768xf32, #tpu.memory_space<hbm>>
      %dma_start3A_271 = tpu.memref_slice %arg13[%dma_start3A_264] : memref<12x!tpu.dma_semaphore, #tpu.memory_space<semaphore_mem>> -> memref<1x!tpu.dma_semaphore, #tpu.memory_space<semaphore_mem>>
      %dma_start3A_272 = tpu.memref_squeeze %dma_start3A_271 : memref<1x!tpu.dma_semaphore, #tpu.memory_space<semaphore_mem>> -> memref<!tpu.dma_semaphore, #tpu.memory_space<semaphore_mem>>
      %dma_start3A_273 = arith.constant 0 : i32
      %dma_start3A_274 = tpu.memref_slice %arg7[%add3A_262, %dma_start3A_273] : memref<204800x768xf32, #tpu.memory_space<hbm>> -> memref<32x768xf32, #tpu.memory_space<hbm>>
      %dma_start3A_275 = arith.constant 0 : i32
      %dma_start3A_276 = arith.constant 0 : i32
      %dma_start3A_277 = tpu.memref_slice %arg10[%dma_start3A_263, %dma_start3A_275, %dma_start3A_276] : memref<4x32x768xf32, #tpu.memory_space<vmem>> -> memref<1x32x768xf32, #tpu.memory_space<vmem>>
      %dma_start3A_278 = tpu.memref_squeeze %dma_start3A_277 : memref<1x32x768xf32, #tpu.memory_space<vmem>> -> memref<32x768xf32, #tpu.memory_space<vmem>>
      tpu.enqueue_dma source(%dma_start3A_278 : memref<32x768xf32, #tpu.memory_space<vmem>>) target(%dma_start3A_274 : memref<32x768xf32, #tpu.memory_space<hbm>>) target_semaphore(%dma_start3A_272 : memref<!tpu.dma_semaphore, #tpu.memory_space<semaphore_mem>>)
      %mul3A_279 = arith.constant 4 : i32
      %mul3A_280 = arith.muli %scan3A_100, %mul3A_279 : i32
      %add3A_281 = arith.constant 3 : i32
      %add3A_282 = arith.addi %mul3A_280, %add3A_281 : i32
      %dma_wait3A_283 = arith.constant 1 : i32
      %dma_wait3A_284 = arith.constant 9 : i32
      %dma_wait3A_285 = arith.constant 0 : i32
      %dma_wait3A_286 = arith.constant 0 : i32
      %dma_wait3A_287 = tpu.memref_slice %arg10[%dma_wait3A_283, %dma_wait3A_285, %dma_wait3A_286] : memref<4x32x768xf32, #tpu.memory_space<vmem>> -> memref<1x32x768xf32, #tpu.memory_space<vmem>>
      %dma_wait3A_288 = tpu.memref_squeeze %dma_wait3A_287 : memref<1x32x768xf32, #tpu.memory_space<vmem>> -> memref<32x768xf32, #tpu.memory_space<vmem>>
      %dma_wait3A_289 = arith.constant 0 : i32
      %dma_wait3A_290 = tpu.memref_slice %arg7[%mul3A_2, %dma_wait3A_289] : memref<204800x768xf32, #tpu.memory_space<hbm>> -> memref<32x768xf32, #tpu.memory_space<hbm>>
      %dma_wait3A_291 = tpu.memref_slice %arg13[%dma_wait3A_284] : memref<12x!tpu.dma_semaphore, #tpu.memory_space<semaphore_mem>> -> memref<1x!tpu.dma_semaphore, #tpu.memory_space<semaphore_mem>>
      %dma_wait3A_292 = tpu.memref_squeeze %dma_wait3A_291 : memref<1x!tpu.dma_semaphore, #tpu.memory_space<semaphore_mem>> -> memref<!tpu.dma_semaphore, #tpu.memory_space<semaphore_mem>>
      %dma_wait3A_293 = arith.constant 0 : i32
      %dma_wait3A_294 = tpu.memref_slice %arg7[%mul3A_2, %dma_wait3A_293] : memref<204800x768xf32, #tpu.memory_space<hbm>> -> memref<32x768xf32, #tpu.memory_space<hbm>>
      %dma_wait3A_295 = arith.constant 0 : i32
      %dma_wait3A_296 = arith.constant 0 : i32
      %dma_wait3A_297 = tpu.memref_slice %arg10[%dma_wait3A_283, %dma_wait3A_295, %dma_wait3A_296] : memref<4x32x768xf32, #tpu.memory_space<vmem>> -> memref<1x32x768xf32, #tpu.memory_space<vmem>>
      %dma_wait3A_298 = tpu.memref_squeeze %dma_wait3A_297 : memref<1x32x768xf32, #tpu.memory_space<vmem>> -> memref<32x768xf32, #tpu.memory_space<vmem>>
      tpu.wait_dma2 semaphore(%dma_wait3A_292 : memref<!tpu.dma_semaphore, #tpu.memory_space<semaphore_mem>>) src(%dma_wait3A_298 : memref<32x768xf32, #tpu.memory_space<vmem>>) dst(%dma_wait3A_294 : memref<32x768xf32, #tpu.memory_space<hbm>>)
      %add3A_299 = arith.constant 2 : i32
      %add3A_300 = arith.addi %add3A_282, %add3A_299 : i32
      %lt3A_301 = arith.constant 200 : i32
      %lt3A_302 = arith.cmpi slt, %add3A_300, %lt3A_301 : i32
      %convert_element_type3A_303 = arith.extui %lt3A_302 : i1 to i32
      %cond3A_304 = arith.constant 0 : i32
      %cond3A_305 = arith.cmpi ne, %convert_element_type3A_303, %cond3A_304 : i32
      scf.if %cond3A_305 {
        %add3A_347 = arith.constant 2 : i32
        %add3A_348 = arith.addi %add3A_282, %add3A_347 : i32
        %mul3A_349 = arith.constant 32 : i32
        %mul3A_350 = arith.muli %add3A_348, %mul3A_349 : i32
        %dma_start3A_351 = arith.constant 1 : i32
        %dma_start3A_352 = arith.constant 1 : i32
        %dma_start3A_353 = arith.constant 0 : i32
        %dma_start3A_354 = arith.constant 0 : i32
        %dma_start3A_355 = tpu.memref_slice %arg10[%dma_start3A_351, %dma_start3A_353, %dma_start3A_354] : memref<4x32x768xf32, #tpu.memory_space<vmem>> -> memref<1x32x768xf32, #tpu.memory_space<vmem>>
        %dma_start3A_356 = tpu.memref_squeeze %dma_start3A_355 : memref<1x32x768xf32, #tpu.memory_space<vmem>> -> memref<32x768xf32, #tpu.memory_space<vmem>>
        %dma_start3A_357 = tpu.memref_slice %arg8[%mul3A_350] : memref<6400xi32, #tpu.memory_space<vmem>> -> memref<32xi32, #tpu.memory_space<vmem>>
        %dma_start3A_358 = arith.constant 0 : i32
        %dma_start3A_359 = arith.constant 0 : i32
        %dma_start3A_360 = tpu.memref_slice %arg3[%dma_start3A_358, %dma_start3A_359] : memref<50265x768xf32, #tpu.memory_space<hbm>> -> memref<50265x768xf32, #tpu.memory_space<hbm>>
        %dma_start3A_361 = tpu.memref_slice %arg13[%dma_start3A_352] : memref<12x!tpu.dma_semaphore, #tpu.memory_space<semaphore_mem>> -> memref<1x!tpu.dma_semaphore, #tpu.memory_space<semaphore_mem>>
        %dma_start3A_362 = tpu.memref_squeeze %dma_start3A_361 : memref<1x!tpu.dma_semaphore, #tpu.memory_space<semaphore_mem>> -> memref<!tpu.dma_semaphore, #tpu.memory_space<semaphore_mem>>
        tpu.enqueue_indirect_dma source(%dma_start3A_360 : memref<50265x768xf32, #tpu.memory_space<hbm>>) target(%dma_start3A_356 : memref<32x768xf32, #tpu.memory_space<vmem>>) offsets(%dma_start3A_357 : memref<32xi32, #tpu.memory_space<vmem>>) semaphore(%dma_start3A_362 : memref<!tpu.dma_semaphore, #tpu.memory_space<semaphore_mem>>)
      } else {
      }
      %add3A_306 = arith.constant 1 : i32
      %add3A_307 = arith.addi %add3A_282, %add3A_306 : i32
      %lt3A_308 = arith.constant 200 : i32
      %lt3A_309 = arith.cmpi slt, %add3A_307, %lt3A_308 : i32
      %convert_element_type3A_310 = arith.extui %lt3A_309 : i1 to i32
      %cond3A_311 = arith.constant 0 : i32
      %cond3A_312 = arith.cmpi ne, %convert_element_type3A_310, %cond3A_311 : i32
      scf.if %cond3A_312 {
        %add3A_347 = arith.constant 1 : i32
        %add3A_348 = arith.addi %add3A_282, %add3A_347 : i32
        %mul3A_349 = arith.constant 32 : i32
        %mul3A_350 = arith.muli %add3A_348, %mul3A_349 : i32
        %dma_wait3A_351 = arith.constant 0 : i32
        %dma_wait3A_352 = arith.constant 0 : i32
        %dma_wait3A_353 = arith.constant 0 : i32
        %dma_wait3A_354 = arith.constant 0 : i32
        %dma_wait3A_355 = tpu.memref_slice %arg10[%dma_wait3A_351, %dma_wait3A_353, %dma_wait3A_354] : memref<4x32x768xf32, #tpu.memory_space<vmem>> -> memref<1x32x768xf32, #tpu.memory_space<vmem>>
        %dma_wait3A_356 = tpu.memref_squeeze %dma_wait3A_355 : memref<1x32x768xf32, #tpu.memory_space<vmem>> -> memref<32x768xf32, #tpu.memory_space<vmem>>
        %dma_wait3A_357 = tpu.memref_slice %arg8[%mul3A_350] : memref<6400xi32, #tpu.memory_space<vmem>> -> memref<32xi32, #tpu.memory_space<vmem>>
        %dma_wait3A_358 = arith.constant 0 : i32
        %dma_wait3A_359 = arith.constant 0 : i32
        %dma_wait3A_360 = tpu.memref_slice %arg3[%dma_wait3A_358, %dma_wait3A_359] : memref<50265x768xf32, #tpu.memory_space<hbm>> -> memref<50265x768xf32, #tpu.memory_space<hbm>>
        %dma_wait3A_361 = tpu.memref_slice %arg13[%dma_wait3A_352] : memref<12x!tpu.dma_semaphore, #tpu.memory_space<semaphore_mem>> -> memref<1x!tpu.dma_semaphore, #tpu.memory_space<semaphore_mem>>
        %dma_wait3A_362 = tpu.memref_squeeze %dma_wait3A_361 : memref<1x!tpu.dma_semaphore, #tpu.memory_space<semaphore_mem>> -> memref<!tpu.dma_semaphore, #tpu.memory_space<semaphore_mem>>
        tpu.wait_indirect_dma semaphore(%dma_wait3A_362 : memref<!tpu.dma_semaphore, #tpu.memory_space<semaphore_mem>>) src(%dma_wait3A_360 : memref<50265x768xf32, #tpu.memory_space<hbm>>) dst(%dma_wait3A_356 : memref<32x768xf32, #tpu.memory_space<vmem>>)
        %add3A_363 = arith.constant 1 : i32
        %add3A_364 = arith.addi %add3A_282, %add3A_363 : i32
        %mul3A_365 = arith.constant 32 : i32
        %mul3A_366 = arith.muli %add3A_364, %mul3A_365 : i32
        %dma_start3A_367 = arith.constant 0 : i32
        %dma_start3A_368 = arith.constant 4 : i32
        %dma_start3A_369 = arith.constant 0 : i32
        %dma_start3A_370 = arith.constant 0 : i32
        %dma_start3A_371 = tpu.memref_slice %arg10[%dma_start3A_367, %dma_start3A_369, %dma_start3A_370] : memref<4x32x768xf32, #tpu.memory_space<vmem>> -> memref<1x32x768xf32, #tpu.memory_space<vmem>>
        %dma_start3A_372 = tpu.memref_squeeze %dma_start3A_371 : memref<1x32x768xf32, #tpu.memory_space<vmem>> -> memref<32x768xf32, #tpu.memory_space<vmem>>
        %dma_start3A_373 = tpu.memref_slice %arg9[%mul3A_366] : memref<6400xi32, #tpu.memory_space<vmem>> -> memref<32xi32, #tpu.memory_space<vmem>>
        %dma_start3A_374 = arith.constant 0 : i32
        %dma_start3A_375 = arith.constant 0 : i32
        %dma_start3A_376 = tpu.memref_slice %arg4[%dma_start3A_374, %dma_start3A_375] : memref<514x768xf32, #tpu.memory_space<hbm>> -> memref<514x768xf32, #tpu.memory_space<hbm>>
        %dma_start3A_377 = tpu.memref_slice %arg13[%dma_start3A_368] : memref<12x!tpu.dma_semaphore, #tpu.memory_space<semaphore_mem>> -> memref<1x!tpu.dma_semaphore, #tpu.memory_space<semaphore_mem>>
        %dma_start3A_378 = tpu.memref_squeeze %dma_start3A_377 : memref<1x!tpu.dma_semaphore, #tpu.memory_space<semaphore_mem>> -> memref<!tpu.dma_semaphore, #tpu.memory_space<semaphore_mem>>
        tpu.enqueue_indirect_dma source(%dma_start3A_376 : memref<514x768xf32, #tpu.memory_space<hbm>>) target(%dma_start3A_372 : memref<32x768xf32, #tpu.memory_space<vmem>>) offsets(%dma_start3A_373 : memref<32xi32, #tpu.memory_space<vmem>>) semaphore(%dma_start3A_378 : memref<!tpu.dma_semaphore, #tpu.memory_space<semaphore_mem>>) {add = true}
      } else {
      }
      %mul3A_313 = arith.constant 32 : i32
      %mul3A_314 = arith.muli %add3A_282, %mul3A_313 : i32
      %dma_wait3A_315 = arith.constant 3 : i32
      %dma_wait3A_316 = arith.constant 7 : i32
      %dma_wait3A_317 = arith.constant 0 : i32
      %dma_wait3A_318 = arith.constant 0 : i32
      %dma_wait3A_319 = tpu.memref_slice %arg10[%dma_wait3A_315, %dma_wait3A_317, %dma_wait3A_318] : memref<4x32x768xf32, #tpu.memory_space<vmem>> -> memref<1x32x768xf32, #tpu.memory_space<vmem>>
      %dma_wait3A_320 = tpu.memref_squeeze %dma_wait3A_319 : memref<1x32x768xf32, #tpu.memory_space<vmem>> -> memref<32x768xf32, #tpu.memory_space<vmem>>
      %dma_wait3A_321 = tpu.memref_slice %arg9[%mul3A_314] : memref<6400xi32, #tpu.memory_space<vmem>> -> memref<32xi32, #tpu.memory_space<vmem>>
      %dma_wait3A_322 = arith.constant 0 : i32
      %dma_wait3A_323 = arith.constant 0 : i32
      %dma_wait3A_324 = tpu.memref_slice %arg4[%dma_wait3A_322, %dma_wait3A_323] : memref<514x768xf32, #tpu.memory_space<hbm>> -> memref<514x768xf32, #tpu.memory_space<hbm>>
      %dma_wait3A_325 = tpu.memref_slice %arg13[%dma_wait3A_316] : memref<12x!tpu.dma_semaphore, #tpu.memory_space<semaphore_mem>> -> memref<1x!tpu.dma_semaphore, #tpu.memory_space<semaphore_mem>>
      %dma_wait3A_326 = tpu.memref_squeeze %dma_wait3A_325 : memref<1x!tpu.dma_semaphore, #tpu.memory_space<semaphore_mem>> -> memref<!tpu.dma_semaphore, #tpu.memory_space<semaphore_mem>>
      tpu.wait_indirect_dma semaphore(%dma_wait3A_326 : memref<!tpu.dma_semaphore, #tpu.memory_space<semaphore_mem>>) src(%dma_wait3A_324 : memref<514x768xf32, #tpu.memory_space<hbm>>) dst(%dma_wait3A_320 : memref<32x768xf32, #tpu.memory_space<vmem>>)
      %mul3A_327 = arith.constant 32 : i32
      %mul3A_328 = arith.muli %add3A_282, %mul3A_327 : i32
      %add3A_329 = arith.addi %mul3A_2, %mul3A_328 : i32
      %dma_start3A_330 = arith.constant 3 : i32
      %dma_start3A_331 = arith.constant 11 : i32
      %dma_start3A_332 = arith.constant 0 : i32
      %dma_start3A_333 = arith.constant 0 : i32
      %dma_start3A_334 = tpu.memref_slice %arg10[%dma_start3A_330, %dma_start3A_332, %dma_start3A_333] : memref<4x32x768xf32, #tpu.memory_space<vmem>> -> memref<1x32x768xf32, #tpu.memory_space<vmem>>
      %dma_start3A_335 = tpu.memref_squeeze %dma_start3A_334 : memref<1x32x768xf32, #tpu.memory_space<vmem>> -> memref<32x768xf32, #tpu.memory_space<vmem>>
      %dma_start3A_336 = arith.constant 0 : i32
      %dma_start3A_337 = tpu.memref_slice %arg7[%add3A_329, %dma_start3A_336] : memref<204800x768xf32, #tpu.memory_space<hbm>> -> memref<32x768xf32, #tpu.memory_space<hbm>>
      %dma_start3A_338 = tpu.memref_slice %arg13[%dma_start3A_331] : memref<12x!tpu.dma_semaphore, #tpu.memory_space<semaphore_mem>> -> memref<1x!tpu.dma_semaphore, #tpu.memory_space<semaphore_mem>>
      %dma_start3A_339 = tpu.memref_squeeze %dma_start3A_338 : memref<1x!tpu.dma_semaphore, #tpu.memory_space<semaphore_mem>> -> memref<!tpu.dma_semaphore, #tpu.memory_space<semaphore_mem>>
      %dma_start3A_340 = arith.constant 0 : i32
      %dma_start3A_341 = tpu.memref_slice %arg7[%add3A_329, %dma_start3A_340] : memref<204800x768xf32, #tpu.memory_space<hbm>> -> memref<32x768xf32, #tpu.memory_space<hbm>>
      %dma_start3A_342 = arith.constant 0 : i32
      %dma_start3A_343 = arith.constant 0 : i32
      %dma_start3A_344 = tpu.memref_slice %arg10[%dma_start3A_330, %dma_start3A_342, %dma_start3A_343] : memref<4x32x768xf32, #tpu.memory_space<vmem>> -> memref<1x32x768xf32, #tpu.memory_space<vmem>>
      %dma_start3A_345 = tpu.memref_squeeze %dma_start3A_344 : memref<1x32x768xf32, #tpu.memory_space<vmem>> -> memref<32x768xf32, #tpu.memory_space<vmem>>
      tpu.enqueue_dma source(%dma_start3A_345 : memref<32x768xf32, #tpu.memory_space<vmem>>) target(%dma_start3A_341 : memref<32x768xf32, #tpu.memory_space<hbm>>) target_semaphore(%dma_start3A_339 : memref<!tpu.dma_semaphore, #tpu.memory_space<semaphore_mem>>)
      %scan3A_346 = arith.constant 0 : i32
      scf.yield %scan3A_346 : i32
    }
    %scan3A_67 = arith.constant 50 : i32
    %dma_wait3A_68 = arith.constant 2 : i32
    %dma_wait3A_69 = arith.constant 10 : i32
    %dma_wait3A_70 = arith.constant 0 : i32
    %dma_wait3A_71 = arith.constant 0 : i32
    %dma_wait3A_72 = tpu.memref_slice %arg10[%dma_wait3A_68, %dma_wait3A_70, %dma_wait3A_71] : memref<4x32x768xf32, #tpu.memory_space<vmem>> -> memref<1x32x768xf32, #tpu.memory_space<vmem>>
    %dma_wait3A_73 = tpu.memref_squeeze %dma_wait3A_72 : memref<1x32x768xf32, #tpu.memory_space<vmem>> -> memref<32x768xf32, #tpu.memory_space<vmem>>
    %dma_wait3A_74 = arith.constant 0 : i32
    %dma_wait3A_75 = tpu.memref_slice %arg7[%mul3A_2, %dma_wait3A_74] : memref<204800x768xf32, #tpu.memory_space<hbm>> -> memref<32x768xf32, #tpu.memory_space<hbm>>
    %dma_wait3A_76 = tpu.memref_slice %arg13[%dma_wait3A_69] : memref<12x!tpu.dma_semaphore, #tpu.memory_space<semaphore_mem>> -> memref<1x!tpu.dma_semaphore, #tpu.memory_space<semaphore_mem>>
    %dma_wait3A_77 = tpu.memref_squeeze %dma_wait3A_76 : memref<1x!tpu.dma_semaphore, #tpu.memory_space<semaphore_mem>> -> memref<!tpu.dma_semaphore, #tpu.memory_space<semaphore_mem>>
    %dma_wait3A_78 = arith.constant 0 : i32
    %dma_wait3A_79 = tpu.memref_slice %arg7[%mul3A_2, %dma_wait3A_78] : memref<204800x768xf32, #tpu.memory_space<hbm>> -> memref<32x768xf32, #tpu.memory_space<hbm>>
    %dma_wait3A_80 = arith.constant 0 : i32
    %dma_wait3A_81 = arith.constant 0 : i32
    %dma_wait3A_82 = tpu.memref_slice %arg10[%dma_wait3A_68, %dma_wait3A_80, %dma_wait3A_81] : memref<4x32x768xf32, #tpu.memory_space<vmem>> -> memref<1x32x768xf32, #tpu.memory_space<vmem>>
    %dma_wait3A_83 = tpu.memref_squeeze %dma_wait3A_82 : memref<1x32x768xf32, #tpu.memory_space<vmem>> -> memref<32x768xf32, #tpu.memory_space<vmem>>
    tpu.wait_dma2 semaphore(%dma_wait3A_77 : memref<!tpu.dma_semaphore, #tpu.memory_space<semaphore_mem>>) src(%dma_wait3A_83 : memref<32x768xf32, #tpu.memory_space<vmem>>) dst(%dma_wait3A_79 : memref<32x768xf32, #tpu.memory_space<hbm>>)
    %dma_wait3A_84 = arith.constant 3 : i32
    %dma_wait3A_85 = arith.constant 11 : i32
    %dma_wait3A_86 = arith.constant 0 : i32
    %dma_wait3A_87 = arith.constant 0 : i32
    %dma_wait3A_88 = tpu.memref_slice %arg10[%dma_wait3A_84, %dma_wait3A_86, %dma_wait3A_87] : memref<4x32x768xf32, #tpu.memory_space<vmem>> -> memref<1x32x768xf32, #tpu.memory_space<vmem>>
    %dma_wait3A_89 = tpu.memref_squeeze %dma_wait3A_88 : memref<1x32x768xf32, #tpu.memory_space<vmem>> -> memref<32x768xf32, #tpu.memory_space<vmem>>
    %dma_wait3A_90 = arith.constant 0 : i32
    %dma_wait3A_91 = tpu.memref_slice %arg7[%mul3A_2, %dma_wait3A_90] : memref<204800x768xf32, #tpu.memory_space<hbm>> -> memref<32x768xf32, #tpu.memory_space<hbm>>
    %dma_wait3A_92 = tpu.memref_slice %arg13[%dma_wait3A_85] : memref<12x!tpu.dma_semaphore, #tpu.memory_space<semaphore_mem>> -> memref<1x!tpu.dma_semaphore, #tpu.memory_space<semaphore_mem>>
    %dma_wait3A_93 = tpu.memref_squeeze %dma_wait3A_92 : memref<1x!tpu.dma_semaphore, #tpu.memory_space<semaphore_mem>> -> memref<!tpu.dma_semaphore, #tpu.memory_space<semaphore_mem>>
    %dma_wait3A_94 = arith.constant 0 : i32
    %dma_wait3A_95 = tpu.memref_slice %arg7[%mul3A_2, %dma_wait3A_94] : memref<204800x768xf32, #tpu.memory_space<hbm>> -> memref<32x768xf32, #tpu.memory_space<hbm>>
    %dma_wait3A_96 = arith.constant 0 : i32
    %dma_wait3A_97 = arith.constant 0 : i32
    %dma_wait3A_98 = tpu.memref_slice %arg10[%dma_wait3A_84, %dma_wait3A_96, %dma_wait3A_97] : memref<4x32x768xf32, #tpu.memory_space<vmem>> -> memref<1x32x768xf32, #tpu.memory_space<vmem>>
    %dma_wait3A_99 = tpu.memref_squeeze %dma_wait3A_98 : memref<1x32x768xf32, #tpu.memory_space<vmem>> -> memref<32x768xf32, #tpu.memory_space<vmem>>
    tpu.wait_dma2 semaphore(%dma_wait3A_93 : memref<!tpu.dma_semaphore, #tpu.memory_space<semaphore_mem>>) src(%dma_wait3A_99 : memref<32x768xf32, #tpu.memory_space<vmem>>) dst(%dma_wait3A_95 : memref<32x768xf32, #tpu.memory_space<hbm>>)
    return
  }
}

</mosaic_0001>

<sc_bundles>
// kernel: clap_text_embeddings_sc.3.cloned.1.call-start
scs
__scs_entry_jumppad:
0x0: {  	(pc) =	sbr.rel $0x88, $3  }
0x1: {  	(tag) =	ssettag $0x0;
	lr =	simm.s32 $0x1  }
0x2: {  	[smem:$0x3F9B] =	sst lr;
	_ =	strace $0xD0000000  }
0x3: {  	_ = 	snop  }
0x4: {  	_ = 	snop  }
0x5: {  	_ = 	snop  }
0x6: {  	_ = 	snop  }
0x7: {  	_ = 	snop  }
__scs_overlays_trampoline_lowered:
0x8: {  	[smem:$0x3FAA] =	sst s0  }
0x9: {  	[smem:$0x3FAB] =	sst s1  }
0xa: {  	[smem:$0x3FAC] =	sst s2  }
0xb: {  	[smem:$0x3FAD] =	sst s3  }
0xc: {  	[smem:$0x3FAE] =	sst s4  }
0xd: {  	[smem:$0x3FAF] =	sst s5  }
0xe: {  	[smem:$0x3FB0] =	sst s6  }
0xf: {  	[smem:$0x3FB1] =	sst s7  }
0x10: {  	[smem:$0x3FB2] =	sst s8  }
0x11: {  	[smem:$0x3FB3] =	sst s9;
	s0 =	simm.s32 @!p0 $0x0  }
0x12: {  	s1 =	sld [smem:$0x3F99];
	s0 =	simm.s32 @p0 $0x1  }
0x13: {  	[smem:$0x3FB4] =	sst s0;
	s0 =	simm.s32 @!p1 $0x0  }
0x14: {  	s2 =	sld [smem:$0x3F98];
	s0 =	simm.s32 @p1 $0x1  }
0x15: {  	[smem:$0x3FB5] =	sst s0;
	s0 =	simm.s32 @!p2 $0x0  }
0x16: {  	s3 =	sld [smem:$0x3FDB];
	s0 =	simm.s32 @p2 $0x1  }
0x17: {  	s4 =	simm.s32 $0x1BF5;
	[smem:$0x3FB7] =	sst s0  }
0x18: {  	s0 =	sld [smem:$0x3F9A];
	_ =	swait.ge [sflag:s4], $0x0  }
0x19: {  	s7 =	sld [smem:$0x3F9B]  }
0x1a: {  	s8 =	sadd.s32 $0xFFFFE003, lr  }
0x1b: {  	s9 =	sadd.s32 $0xFFFFFEF7, lr;
	s5 =	simm.s32 $0xFFFFFFFF;
	p2 =	slt.u32 s8, $0xFFFFF086  }
0x1c: {  	p1 =	slt.u32 s9, $0xF7A;
	s5 =	simm.s32 @!p2 $0x0  }
0x1d: {  	s5 =	simm.s32 @p1 $0x1;
	p0 =	seq.s32 s7, s2  }
0x1e: {  	s7 =	smul.u32 @!p0 $0xF7A, s2;
	p2 =	seq.s32 @!p0 s5, $0x0  }
0x1f: {  	s9 =	smul.u32 $0xF7A, s1;
	s8 =	simm.s32 @!p0 $0x1BF5;
	p2 =	por !p2, p0  }
0x20: {  	[sflag:s8] =	ssyncset.s32 @!p0 $0xFFFFF086;
	s6 =	sadd.s32 @!p0 s3, s7;
	s7 =	simm.s32 @!p0 $0x108  }
0x21: {  	s3 =	sadd.s32 s3, s9;
	s6 =	sadd.s32 @!p0 $0x88, s6;
	s7 =	simm.s32 @p2 $0x1082  }
0x22: {  	[simem:s7], [sflag:s8] =	dma.local @!p0 [hbm:s6], $0xF7A  }
0x23: {  	s9 =	sor.u32 $0xD0000000, s2;
	s6 =	simm.s32 $0x108;
	_ =	swait.ge @!p0 [sflag:s8], $0x0  }
0x24: {  	s3 =	sadd.s32 $0x88, s3;
	s6 =	simm.s32 @!p1 $0x1082;
	[sflag:s4] =	ssyncset.s32 $0xFFFFF086  }
0x25: {  	[simem:s6], [sflag:s4] =	dma.local [hbm:s3], $0xF7A  }
0x26: {  	[smem:$0x3F9B] =	sst s1;
	(tag) =	ssettag s2;
	_ =	strace s9  }
0x27: {  	s1 =	sld [smem:$0x3FAB]  }
0x28: {  	s2 =	sld [smem:$0x3FAC]  }
0x29: {  	s4 =	sld [smem:$0x3FAE]  }
0x2a: {  	p0 =	seq.s32 s5, $0x0;
	s5 =	sld [smem:$0x3FAF]  }
0x2b: {  	s6 =	sld [smem:$0x3FB0]  }
0x2c: {  	s7 =	sld [smem:$0x3FB1]  }
0x2d: {  	s3 =	simm.s32 $0x108;
	s8 =	sld [smem:$0x3FB2]  }
0x2e: {  	s3 =	simm.s32 @!p0 $0x1082;
	s9 =	sld [smem:$0x3FB3]  }
0x2f: {  	lr =	sadd.s32 s0, s3;
	s0 =	sld [smem:$0x3FAA]  }
0x30: {  	s3 =	sld [smem:$0x3FAD]  }
0x31: {  	[smem:$0x3FB6] =	sst s10  }
0x32: {  	s10 =	sld [smem:$0x3FB4];
	_ =	sdelay $0x3  }
0x33: {  	p0 =	seq.s32 s10, $0x1;
	s10 =	sld [smem:$0x3FB6];
	_ =	sdelay $0x3  }
0x34: {  	[smem:$0x3FB6] =	sst s10  }
0x35: {  	s10 =	sld [smem:$0x3FB5];
	_ =	sdelay $0x3  }
0x36: {  	p1 =	seq.s32 s10, $0x1;
	s10 =	sld [smem:$0x3FB6];
	_ =	sdelay $0x3  }
0x37: {  	[smem:$0x3FB6] =	sst s10  }
0x38: {  	s10 =	sld [smem:$0x3FB7]  }
0x39: {  	_ = 	snop;
	(pc) =	sbr.ind lr, $3  }
0x3a: {  	_ = 	snop  }
0x3b: {  	_ = 	snop  }
0x3c: {  	p2 =	seq.s32 s10, $0x1;
	s10 =	sld [smem:$0x3FB6]  }
0x3d: {  	_ =	shalt  }
0x3e: {  	_ =	shalt  }
0x3f: {  	_ =	shalt  }
0x40: {  	_ =	shalt  }
0x41: {  	_ =	shalt  }
0x42: {  	_ =	shalt  }
0x43: {  	_ =	shalt  }
0x44: {  	_ =	shalt  }
0x45: {  	_ =	shalt  }
0x46: {  	_ =	shalt  }
0x47: {  	_ =	shalt  }
0x48: {  	_ =	shalt  }
0x49: {  	_ =	shalt  }
0x4a: {  	_ =	shalt  }
0x4b: {  	_ =	shalt  }
0x4c: {  	_ =	shalt  }
0x4d: {  	_ =	shalt  }
0x4e: {  	_ =	shalt  }
0x4f: {  	_ =	shalt  }
0x50: {  	_ =	shalt  }
0x51: {  	_ =	shalt  }
0x52: {  	_ =	shalt  }
0x53: {  	_ =	shalt  }
0x54: {  	_ =	shalt  }
0x55: {  	_ =	shalt  }
0x56: {  	_ =	shalt  }
0x57: {  	_ =	shalt  }
0x58: {  	_ =	shalt  }
0x59: {  	_ =	shalt  }
0x5a: {  	_ =	shalt  }
0x5b: {  	_ =	shalt  }
0x5c: {  	_ =	shalt  }
0x5d: {  	_ =	shalt  }
0x5e: {  	_ =	shalt  }
0x5f: {  	_ =	shalt  }
0x60: {  	_ =	shalt  }
0x61: {  	_ =	shalt  }
0x62: {  	_ =	shalt  }
0x63: {  	_ =	shalt  }
0x64: {  	_ =	shalt  }
0x65: {  	_ =	shalt  }
0x66: {  	_ =	shalt  }
0x67: {  	_ =	shalt  }
0x68: {  	_ =	shalt  }
0x69: {  	_ =	shalt  }
0x6a: {  	_ =	shalt  }
0x6b: {  	_ =	shalt  }
0x6c: {  	_ =	shalt  }
0x6d: {  	_ =	shalt  }
0x6e: {  	_ =	shalt  }
0x6f: {  	_ =	shalt  }
0x70: {  	_ =	shalt  }
0x71: {  	_ =	shalt  }
0x72: {  	_ =	shalt  }
0x73: {  	_ =	shalt  }
0x74: {  	_ =	shalt  }
0x75: {  	_ =	shalt  }
0x76: {  	_ =	shalt  }
0x77: {  	_ =	shalt  }
0x78: {  	_ =	shalt  }
0x79: {  	_ =	shalt  }
0x7a: {  	_ =	shalt  }
0x7b: {  	_ =	shalt  }
0x7c: {  	_ =	shalt  }
0x7d: {  	_ =	shalt  }
0x7e: {  	_ =	shalt  }
0x7f: {  	_ =	shalt  }
0x80: {  	_ =	shalt  }
0x81: {  	_ =	shalt  }
0x82: {  	_ =	shalt  }
0x83: {  	_ =	shalt  }
0x84: {  	_ =	shalt  }
0x85: {  	_ =	shalt  }
0x86: {  	_ =	shalt  }
0x87: {  	_ =	shalt  }
.Lfunc_end0:
.L_simem_size_0:
called_computation_lowered:
.L_overlay_start_0:
0x88: {  	s2 =	sld [smem:$0x3FD9]  }
0x89: {  	s3 =	sld [smem:$0x3FFE];
	_ =	sdelay $0x1  }
0x8a: {  	s1 =	srdreg.scid  }
0x8b: {  	s0 =	sand.u32 $0x1, s1  }
0x8c: {  	s17 =	sshll.u32 s0, $0xA;
	s2 =	sadd.s32 s3, s2  }
0x8d: {  	s2 =	sadd.s32 s2, s17  }
0x8e: {  	[smem:$0x3FC2] =	sst s2  }
0x8f: {  	_ = 	snop  }
0x90: {  	s2 =	sld [smem:$0x3FC5]  }
0x91: {  	s18 =	sld [smem:$0x3FC4]  }
0x92: {  	s4 =	sld [smem:$0x3FD0];
	(tm) =	ssettm $0x1  }
0x93: {  	s5 =	sld [smem:$0x3FFB];
	_ =	sdelay $0x3  }
0x94: {  	_ =	strace s5  }
0x95: {  	s5 =	sld [smem:$0x3FFC];
	_ =	sdelay $0x3  }
0x96: {  	_ =	strace s5  }
0x97: {  	s5 =	sld [smem:$0x3FFD];
	_ =	sdelay $0x3  }
0x98: {  	_ =	strace s5  }
0x99: {  	_ =	strace $0x8FFFFFFF  }
0x9a: {  	s19 =	sld [smem:$0x3FDB];
	_ =	sdelay $0x1  }
0x9b: {  	s6 =	simm.s32 $_scs_section_size  }
0x9c: {  	s7 =	simm.s32 $_size__tile_overlayer_lowered;
	s8 =	simm.s32 $_tile_overlayer_lowered  }
0x9d: {  	s22 =	simm.s32 $0x1BFF;
	s21 =	sshll.u32 s8, $0x1;
	s5 =	sadd.s32 s6, s19  }
0x9e: {  	s9 =	simm.s32 $0x0;
	s20 =	sshll.u32 s7, $0x1;
	s7 =	sadd.s32 s21, s5  }
0x9f: {  	[timem:s9], [sflag:s22] =	dma.local [hbm:s7], s20  }
0xa0: {  	_ =	swait.ge [sflag:s22], s20  }
0xa1: {  	s6 =	ssub.s32 $0x0, s20;
	[sflag:s22] =	ssyncset.done $0x0  }
0xa2: {  	[sflag:s22] =	ssyncadd.s32 s6;
	_ =	sdelay $0x1  }
0xa3: {  	s23 =	simm.s32 $0x1B8B  }
0xa4: {  	_ =	swait.ge [sflag:s23], $0x1  }
0xa5: {  	[sflag:s23] =	ssyncset.done $0x0  }
0xa6: {  	s25 =	simm.s32 $0x1B8E;
	s24 =	sld [smem:$0x3FFE];
	[sflag:s23] =	ssyncadd.s32 $0xFFFFFFFF  }
0xa7: {  	s26 =	simm.s32 $execute0_lowered;
	[smem:$0x3FD2] =	sst s25  }
0xa8: {  	s7 =	sshll.u32 s26, $0x1;
	_ =	strace $0x80000046;
	[dreg:$0x1] =	wrdreg $0xFFFFFFFF  }
0xa9: {  	s28 =	simm.s32 $_size_execute0_lowered;
	s5 =	sadd.s32 s5, s7;
	[dreg:$0x0] =	wrdreg $0x0  }
0xaa: {  	s7 =	sshll.u32 s28, $0x1;
	[dreg:$0x2] =	wrdreg s5  }
0xab: {  	[dreg:$0x3] =	wrdreg s7  }
0xac: {  	[dreg:$0x4] =	wrdreg $0xC0  }
0xad: {  	_ =	task [dreg:s9], $0x5FFFF  }
0xae: {  	[dreg:$0x1] =	wrdreg $0xFFFFFFFF  }
0xaf: {  	[dreg:$0x0] =	wrdreg $0x60  }
0xb0: {  	[dreg:$0x2] =	wrdreg s24  }
0xb1: {  	[dreg:$0x3] =	wrdreg s4  }
0xb2: {  	[dreg:$0x4] =	wrdreg s2  }
0xb3: {  	[dreg:$0x5] =	wrdreg s18  }
0xb4: {  	[dreg:$0x6] =	wrdreg $0x9  }
0xb5: {  	_ =	task.clear_ibuf [dreg:s9], $0x7FFFF;
	_ =	strace $0x90000046  }
0xb6: {  	s29 =	simm.s32 $0x9;
	_ =	strace $0x80000048  }
0xb7: {  	_ =	swait.ge [sflag:s29], $0x1  }
0xb8: {  	[sflag:s29] =	ssyncadd.s32 $0xFFFFFFFF  }
0xb9: {  	_ =	strace $0x90000048  }
0xba: {  	_ =	sfence  }
0xbb: {  	s30 =	sld [smem:$0x0];
	_ =	sdelay $0x2  }
0xbc: {  	s31 =	sshll.u32 s1, $0xD;
	s1 =	sshrl.u32 s1, $0x2  }
0xbd: {  	s3 =	sand.u32 $0x4000, s31;
	s1 =	sadd.s32 s1, s30  }
0xbe: {  	s0 =	sor.u32 s3, s0;
	s1 =	sshll.u32 s1, $0x11  }
0xbf: {  	s0 =	sor.u32 s1, s0  }
0xc0: {  	s0 =	sadd.s32 $0x8F2B, s0  }
0xc1: {  	[sflag:s0] =	ssyncadd.remote.s32 $0x1  }
0xc2: {  	_ =	sfence.sel $0xFFFF  }
0xc3: {  	[dreg:$0x0] =	wrdreg $0xFFFFFFFF;
	(pc) =	sbr.abs _section_cstart, $3  }
0xc4: {  	[dreg:$0x1] =	wrdreg $0xFFFFFFFF  }
0xc5: {  	_ =	task.clear_ibuf [dreg:s9], $0x2FFFF;
	_ =	strace $0x9FFFFFFF  }
0xc6: {  	(tm) =	ssettm $0x7FFFFFFF  }
0xc7: {  	_ =	shalt  }
tec
execute0_lowered:
.L_overlay_start_1:
0x0: {  	(tag) =	ssettag $0x1  }
0x1: {  	s0 =	rddreg [dreg:$0x0]  }
0x2: {  	s1 =	rddreg [dreg:$0x1]  }
0x3: {  	s2 =	srdreg.scid;
	s4 =	stileid.u32  }
0x4: {  	s5 =	simm.s32 $0x0;
	s11 =	simm.s32 $0xD;
	s13 =	simm.s32 $0x20  }
0x5: {  	s14 =	simm.s32 $0x3200;
	s15 =	simm.s32 $0x9200;
	s18 =	simm.s32 $0xF200  }
0x6: {  	s19 =	simm.s32 $0x2;
	s20 =	simm.s32 $0x5;
	s21 =	simm.s32 $0x15200  }
0x7: {  	s22 =	simm.s32 $0x3;
	s23 =	simm.s32 $0x6;
	s24 =	simm.s32 $0x9  }
0x8: {  	s25 =	simm.s32 $0x4;
	s2 =	sand.u32 $0x1, s2;
	s3 =	sshll.u32 s4, $0x1  }
0x9: {  	s28 =	simm.s32 $0xA;
	s29 =	simm.s32 $0x8;
	s3 =	sor.u32 s2, s3  }
0xa: {  	s31 =	simm.s32 $0xC;
	[smem:$0x7FF] =	sst s5;
	s3 =	smul.u32 $0x1900, s3  }
0xb: {  	s4 =	smul.u32 $0x12C000, s4;
	s6 =	sadd.s32 $0x6600, s0;
	_ =	strace $0x80000047  }
0xc: {  	v0 =	vlaneseq.u32;
	s7 =	ssub.s32 $0x2, s2;
	s2 =	smul.u32 $0x96000, s2;
	s3 =	sshrl.u32 s3, $0x3  }
0xd: {  	v0 =	vshrl.u32 v0, $0x3;
	s26 =	sshrl.u32 s7, $0x1;
	s3 =	sadd.s32 s3, s0;
	s0 =	sadd.s32 s4, s0  }
0xe: {  	v2 =	vmul.u32 $0xFFFFFFFF, v0;
	s4 =	ssub.s32 s7, s26;
	s26 =	simm.s32 $0x7;
	s3 =	sadd.s32 $0x200, s3  }
0xf: {  	s0 =	sadd.s32 s2, s0;
	s30 =	smax.u32 s4, $0x1;
	[dreg:$0x5] =	wrdreg s3  }
0x10: {  	v1 =	vimm.s32 $0x0;
	vm0 =	vmmov $0xff;
	v2 =	vadd.s32 $0x1, v2;
	s2 =	simm.s32 $0x0;
	[dreg:$0x6] =	wrdreg s30;
	s9 =	sadd.s32 $0x12800, s0  }
.LBB2_1:
0x11: {  	s0 =	rddreg [dreg:$0x2];
	s3 =	simm.s32 $0x1B200  }
0x12: {  	[tilespmem:s3], [sflag:$0xD] =	stream.linear.gather [hbm4b:s0+s5], $0x300, $0x38;
	[tilespmem:$0x1B800] =	vst v63  }
0x13: {  	_ =	swait.ge [sflag:s11], $0x300  }
0x14: {  	[sflag:s11] =	ssyncset.done $0x0  }
0x15: {  	[sflag:s11] =	ssyncadd.s32 $0xFFFFFD00  }
0x16: {  	s17 =	simm.s32 $0x1B500;
	s16 =	rddreg [dreg:$0x3]  }
0x17: {  	[tilespmem:s17], [sflag:$0xD] =	stream.linear.gather [hbm4b:s16+s5], $0x300, $0x38;
	[tilespmem:$0x1B800] =	vst v63  }
0x18: {  	_ =	swait.ge [sflag:s11], $0x300  }
0x19: {  	[sflag:s11] =	ssyncset.done $0x0  }
0x1a: {  	s30 =	rddreg [dreg:$0x5];
	[sflag:s11] =	ssyncadd.s32 $0xFFFFFD00  }
0x1b: {  	[tilespmem:s5], [sflag:$0xD] =	stream.linear.gather [hbm4b:s30+s5], $0x1900, $0x38;
	[tilespmem:$0x1B800] =	vst v63  }
0x1c: {  	s4 =	simm.s32 $0x1900;
	_ =	swait.ge [sflag:s11], $0x1900  }
0x1d: {  	s10 =	simm.s32 $0x0;
	s12 =	simm.s32 $0x0;
	[sflag:s11] =	ssyncset.done $0x0  }
0x1e: {  	s0 =	simm.s32 $0xD0;
	s3 =	simm.s32 $0x19D0;
	[sflag:s11] =	ssyncadd.s32 $0xFFFFE700  }
.LBB2_2:
0x1f: {  	v5 =	vmov s10;
	_ =	sdelay $0x3  }
0x20: {  	s17 =	smul.u32 $0x190, s12;
	v3 =	vimm.s32 $0x0;
	v4 =	vmov s4;
	s7 =	simm.s32 $0x0;
	s8 =	simm.s32 $0x40  }
.LBB2_3:
0x21: {  	p0 =	sne.s32 s8, $0x2C0;
	v6 =	vld.idx.msk [tilespmem:v5+s7+$0x0 ss:$0x1], $0xffff;
	_ =	sdelay $0x5  }
0x22: {  	vm1 =	vne.s32 v6, $0x1  }
0x23: {  	v6 =	vsel vm1, $0x1, v1  }
0x24: {  	(xrf0) =	vadd.scan.msk.s32 $0xffff, v6;
	_ =	sdelay $0x5  }
.Ltmp0:
0x25: {  	v6, _, _ =	vpop (xrf0);
	(pc) =	sbr.rel @p0 .LBB2_3-.Ltmp0, $4  }
0x26: {  	v7 =	vadd.s32 v6, v3;
	v6 =	vbroadcast v6, $0xF  }
0x27: {  	v7 =	vadd.s32 $0x1, v7  }
0x28: {  	v7 =	vnsel vm1, $0x1, v7;
	v3 =	vadd.s32 v3, v6  }
0x29: {  	[tilespmem:v4+s7+$0x0 ss:$0x1] =	vst.idx.msk $0xffff, v7;
	s7 =	sshra.s32 s8, $0x2;
	s8 =	sadd.s32 $0x40, s8  }
0x2a: {  	_ =	sdelay $0x3  }
0x2b: {  	v5 =	vld.idx.msk [tilespmem:v5+s7+$0x0 ss:$0x1], $0xffff;
	_ =	sdelay $0x4  }
0x2c: {  	vm1 =	vne.s32 v5, $0x1  }
0x2d: {  	v5 =	vsel vm1, $0x1, v1  }
0x2e: {  	(xrf0) =	vadd.scan.msk.s32 $0xffff, v5;
	_ =	sdelay $0x5  }
0x2f: {  	v5, _, _ =	vpop (xrf0)  }
0x30: {  	v6 =	vadd.s32 v5, v3  }
0x31: {  	v6 =	vadd.s32 $0x1, v6  }
0x32: {  	v6 =	vnsel vm1, $0x1, v6  }
0x33: {  	[tilespmem:v4+s7+$0x0 ss:$0x1] =	vst.idx.msk $0xffff, v6  }
0x34: {  	v4 =	vld [tilespmem:s17+$0xC0];
	_ =	sdelay $0x4  }
0x35: {  	vm1 =	veq.s32 v4, $0x1  }
0x36: {  	v4 =	vsel vm1, $0x0, v2  }
0x37: {  	v6 =	vsel vm1, $0x0, v0;
	(xrf0) =	vadd.scan.msk.s32 $0xffff, v4  }
0x38: {  	(xrf0) =	vadd.scan.msk.s32 $0xffff, v6;
	_ =	sdelay $0x1  }
0x39: {  	v4 =	vbroadcast v5, $0xF;
	_ =	sdelay $0x2  }
0x3a: {  	v3 =	vadd.s32 v3, v4;
	v5, _, _ =	vpop (xrf0)  }
0x3b: {  	v3 =	vadd.s32 v5, v3;
	v4, _, _ =	vpop (xrf0)  }
0x3c: {  	v3 =	vadd.s32 $0x1, v3;
	v5 =	vadd.s32 $0x1, v4  }
0x3d: {  	v3 =	vsel vm1, $0x1, v3;
	v5 =	vsel vm1, $0x1, v5  }
0x3e: {  	v3 =	vsel vm0, v3, v5;
	v5 =	vmov s0;
	_ =	sdelay $0x3  }
0x3f: {  	s7 =	simm.s32 $0x40;
	v4 =	vbroadcast v4, $0xF;
	[tilespmem:s17+$0x19C0] =	vst v3;
	v3 =	vmov s3;
	s17 =	simm.s32 $0x0  }
.LBB2_5:
0x40: {  	p0 =	sne.s32 s7, $0x2C0;
	v6 =	vld.idx.msk [tilespmem:v5+s17+$0x0 ss:$0x1], $0xffff;
	_ =	sdelay $0x5  }
0x41: {  	vm1 =	vne.s32 v6, $0x1  }
0x42: {  	v6 =	vsel vm1, $0x1, v1  }
0x43: {  	(xrf0) =	vadd.scan.msk.s32 $0xffff, v6;
	_ =	sdelay $0x5  }
.Ltmp1:
0x44: {  	v6, _, _ =	vpop (xrf0);
	(pc) =	sbr.rel @p0 .LBB2_5-.Ltmp1, $4  }
0x45: {  	v7 =	vadd.s32 v6, v4;
	v6 =	vbroadcast v6, $0xF  }
0x46: {  	v7 =	vadd.s32 $0x1, v7  }
0x47: {  	v7 =	vnsel vm1, $0x1, v7;
	v4 =	vadd.s32 v4, v6  }
0x48: {  	[tilespmem:v3+s17+$0x0 ss:$0x1] =	vst.idx.msk $0xffff, v7;
	s17 =	sshra.s32 s7, $0x2;
	s7 =	sadd.s32 $0x40, s7  }
0x49: {  	_ =	sdelay $0x3  }
0x4a: {  	v5 =	vld.idx.msk [tilespmem:v5+s17+$0x0 ss:$0x1], $0xffff;
	_ =	sdelay $0x4  }
0x4b: {  	vm1 =	vne.s32 v5, $0x1  }
0x4c: {  	v5 =	vsel vm1, $0x1, v1  }
0x4d: {  	(xrf0) =	vadd.scan.msk.s32 $0xffff, v5;
	_ =	sdelay $0x3  }
0x4e: {  	s12 =	sadd.s32 $0x1, s12  }
0x4f: {  	p0 =	sne.s32 s12, $0x10  }
.Ltmp2:
0x50: {  	v5, _, _ =	vpop (xrf0);
	(pc) =	sbr.rel @p0 .LBB2_2-.Ltmp2, $4  }
0x51: {  	v4 =	vadd.s32 v5, v4  }
0x52: {  	v4 =	vadd.s32 $0x1, v4  }
0x53: {  	s10 =	sadd.s32 $0x190, s10;
	v4 =	vnsel vm1, $0x1, v4  }
0x54: {  	s4 =	sadd.s32 $0x190, s4;
	s0 =	sadd.s32 $0x190, s0;
	s3 =	sadd.s32 $0x190, s3;
	[tilespmem:v3+s17+$0x0 ss:$0x1] =	vst.idx.msk $0xffff, v4  }
0x55: {  	s0 =	simm.s32 $0x0  }
0x56: {  	[tilespmem:s14], [sflag:$0x1] =	stream.indirect.gather [hbm4b:s1+s13], $0x300, s0, s13, $0xb8;
	[tilespmem:$0x1B800] =	vst v63  }
0x57: {  	s3 =	simm.s32 $0x1  }
0x58: {  	[tilespmem:s15], [sflag:$0x2] =	stream.indirect.gather [hbm4b:s1+s13], $0x300, s13, s13, $0xb8;
	[tilespmem:$0x1B800] =	vst v63  }
0x59: {  	_ =	swait.ge [sflag:s3], $0x6000  }
0x5a: {  	p0 =	por $0x1, $0x1;
	[sflag:s3] =	ssyncset.done $0x0  }
0x5b: {  	s4 =	simm.s32 $0x1900;
	s0 =	simm.s32 @!p0 $0xB;
	[sflag:s3] =	ssyncadd.s32 $0xFFFFA000  }
0x5c: {  	[tilespmem:s14], [sflag:$0x5] =	stream.indirect.gather.add.f32 [hbm:s6], $0x300, s4, s13, $0xb8;
	[tilespmem:$0x1B800] =	vst v63  }
0x5d: {  	_ =	swait.ge @!p0 [sflag:s0], $0x6000  }
0x5e: {  	[sflag:s0] =	ssyncset.done @!p0 $0x0  }
0x5f: {  	s7 =	simm.s32 $0x40;
	[sflag:s0] =	ssyncadd.s32 @!p0 $0xFFFFA000  }
0x60: {  	[tilespmem:s18], [sflag:$0x3] =	stream.indirect.gather [hbm4b:s1+s13], $0x300, s7, s13, $0xb8;
	[tilespmem:$0x1B800] =	vst v63  }
0x61: {  	_ =	swait.ge [sflag:s19], $0x6000  }
0x62: {  	[sflag:s19] =	ssyncset.done $0x0  }
0x63: {  	s8 =	simm.s32 $0x1920;
	[sflag:s19] =	ssyncadd.s32 $0xFFFFA000  }
0x64: {  	[tilespmem:s15], [sflag:$0x6] =	stream.indirect.gather.add.f32 [hbm:s6], $0x300, s8, s13, $0xb8;
	[tilespmem:$0x1B800] =	vst v63  }
0x65: {  	_ =	swait.ge [sflag:s20], $0x6000  }
0x66: {  	[sflag:s20] =	ssyncset.done $0x0  }
0x67: {  	s0 =	simm.s32 @!p0 $0xC;
	[sflag:s20] =	ssyncadd.s32 $0xFFFFA000  }
0x68: {  	[hbm4b:s9+s5] =	stream.linear.scatter [tilespmem:s14], [sflag:$0x9], $0x6000, $0x38;
	[tilespmem:$0x1B800] =	vst v63  }
0x69: {  	_ =	swait.ge @!p0 [sflag:s0], $0x6000  }
0x6a: {  	[sflag:s0] =	ssyncset.done @!p0 $0x0  }
0x6b: {  	s10 =	simm.s32 $0x60;
	[sflag:s0] =	ssyncadd.s32 @!p0 $0xFFFFA000  }
0x6c: {  	[tilespmem:s21], [sflag:$0x4] =	stream.indirect.gather [hbm4b:s1+s13], $0x300, s10, s13, $0xb8;
	[tilespmem:$0x1B800] =	vst v63  }
0x6d: {  	_ =	swait.ge [sflag:s22], $0x6000  }
0x6e: {  	[sflag:s22] =	ssyncset.done $0x0  }
0x6f: {  	s12 =	simm.s32 $0x1940;
	[sflag:s22] =	ssyncadd.s32 $0xFFFFA000  }
0x70: {  	[tilespmem:s18], [sflag:$0x7] =	stream.indirect.gather.add.f32 [hbm:s6], $0x300, s12, s13, $0xb8;
	[tilespmem:$0x1B800] =	vst v63  }
0x71: {  	_ =	swait.ge [sflag:s23], $0x6000  }
0x72: {  	[sflag:s23] =	ssyncset.done $0x0  }
0x73: {  	s16 =	sadd.s32 $0xC00, s9;
	[sflag:s23] =	ssyncadd.s32 $0xFFFFA000  }
0x74: {  	[hbm4b:s16+s5] =	stream.linear.scatter [tilespmem:s15], [sflag:$0xA], $0x6000, $0x38;
	[tilespmem:$0x1B800] =	vst v63  }
0x75: {  	p0 =	por $0x0, $0x0;
	_ =	swait.ge [sflag:s24], $0x6000  }
0x76: {  	s0 =	simm.s32 @!p0 $0x3200;
	[sflag:s24] =	ssyncset.done $0x0  }
0x77: {  	s3 =	simm.s32 @!p0 $0x80;
	s4 =	simm.s32 @!p0 $0x20;
	[sflag:s24] =	ssyncadd.s32 $0xFFFFA000  }
0x78: {  	[tilespmem:s0], [sflag:$0x1] =	stream.indirect.gather @!p0 [hbm4b:s1+s4], $0x300, s3, s4, $0xb8;
	[tilespmem:$0x1B800] =	vst v63  }
0x79: {  	_ =	swait.ge [sflag:s25], $0x6000  }
0x7a: {  	[sflag:s25] =	ssyncset.done $0x0  }
0x7b: {  	s17 =	simm.s32 $0x1960;
	[sflag:s25] =	ssyncadd.s32 $0xFFFFA000  }
0x7c: {  	[tilespmem:s21], [sflag:$0x8] =	stream.indirect.gather.add.f32 [hbm:s6], $0x300, s17, s13, $0xb8;
	[tilespmem:$0x1B800] =	vst v63  }
0x7d: {  	_ =	swait.ge [sflag:s26], $0x6000  }
0x7e: {  	[sflag:s26] =	ssyncset.done $0x0  }
0x7f: {  	s30 =	sadd.s32 $0x1800, s9;
	[sflag:s26] =	ssyncadd.s32 $0xFFFFA000  }
0x80: {  	[hbm4b:s30+s5] =	stream.linear.scatter [tilespmem:s18], [sflag:$0xB], $0x6000, $0x38;
	[tilespmem:$0x1B800] =	vst v63  }
0x81: {  	_ =	swait.ge [sflag:s28], $0x6000  }
0x82: {  	[sflag:s28] =	ssyncset.done $0x0  }
0x83: {  	s7 =	simm.s32 @!p0 $0x9200;
	s3 =	simm.s32 @!p0 $0xA0;
	[sflag:s28] =	ssyncadd.s32 $0xFFFFA000  }
0x84: {  	[tilespmem:s7], [sflag:$0x2] =	stream.indirect.gather @!p0 [hbm4b:s1+s4], $0x300, s3, s4, $0xb8;
	[tilespmem:$0x1B800] =	vst v63  }
0x85: {  	s7 =	simm.s32 @!p0 $0x1  }
0x86: {  	_ =	swait.ge @!p0 [sflag:s7], $0x6000  }
0x87: {  	[sflag:s7] =	ssyncset.done @!p0 $0x0  }
0x88: {  	p1 =	por $0x0, $0x0;
	[sflag:s7] =	ssyncadd.s32 @!p0 $0xFFFFA000;
	s7 =	simm.s32 @!p0 $0x1980  }
0x89: {  	[tilespmem:s0], [sflag:$0x5] =	stream.indirect.gather.add.f32 @!p0 [hbm:s6], $0x300, s7, s4, $0xb8;
	[tilespmem:$0x1B800] =	vst v63  }
0x8a: {  	s3 =	simm.s32 $0x200;
	s4 =	simm.s32 $0x400;
	_ =	swait.ge [sflag:s29], $0x6000  }
0x8b: {  	s0 =	sadd.s32 $0x3000, s9;
	s7 =	sadd.s32 $0x2400, s9;
	[sflag:s29] =	ssyncset.done $0x0  }
.LBB2_8:
0x8c: {  	s8 =	simm.s32 @!p1 $0xB;
	[sflag:s29] =	ssyncadd.s32 $0xFFFFA000  }
0x8d: {  	s12 =	smov.u32 s4;
	s4 =	sadd.s32 $0x200, s4;
	s10 =	smov.u32 s0  }
0x8e: {  	[hbm4b:s7+s5] =	stream.linear.scatter [tilespmem:s21], [sflag:$0xC], $0x6000, $0x38;
	[tilespmem:$0x1B800] =	vst v63  }
0x8f: {  	p0 =	sne.s32 s4, $0x6400;
	_ =	swait.ge @!p1 [sflag:s8], $0x6000  }
0x90: {  	s17 =	sshra.s32 s3, $0x2;
	[sflag:s8] =	ssyncset.done @!p1 $0x0  }
0x91: {  	s7 =	sadd.s32 $0x40, s17;
	[sflag:s8] =	ssyncadd.s32 @!p1 $0xFFFFA000  }
0x92: {  	[tilespmem:s18], [sflag:$0x3] =	stream.indirect.gather [hbm4b:s1+s13], $0x300, s7, s13, $0xb8;
	[tilespmem:$0x1B800] =	vst v63  }
0x93: {  	_ =	swait.ge [sflag:s19], $0x6000  }
0x94: {  	[sflag:s19] =	ssyncset.done $0x0  }
0x95: {  	s7 =	sadd.s32 $0x1920, s17;
	[sflag:s19] =	ssyncadd.s32 $0xFFFFA000  }
0x96: {  	[tilespmem:s15], [sflag:$0x6] =	stream.indirect.gather.add.f32 [hbm:s6], $0x300, s7, s13, $0xb8;
	[tilespmem:$0x1B800] =	vst v63  }
0x97: {  	_ =	swait.ge [sflag:s20], $0x6000  }
0x98: {  	[sflag:s20] =	ssyncset.done $0x0  }
0x99: {  	s7 =	simm.s32 @!p1 $0xC;
	[sflag:s20] =	ssyncadd.s32 $0xFFFFA000  }
0x9a: {  	[hbm4b:s0+s5] =	stream.linear.scatter [tilespmem:s14], [sflag:$0x9], $0x6000, $0x38;
	[tilespmem:$0x1B800] =	vst v63  }
0x9b: {  	_ =	swait.ge @!p1 [sflag:s7], $0x6000  }
0x9c: {  	[sflag:s7] =	ssyncset.done @!p1 $0x0  }
0x9d: {  	[sflag:s7] =	ssyncadd.s32 @!p1 $0xFFFFA000;
	s7 =	sadd.s32 $0x60, s17  }
0x9e: {  	[tilespmem:s21], [sflag:$0x4] =	stream.indirect.gather [hbm4b:s1+s13], $0x300, s7, s13, $0xb8;
	[tilespmem:$0x1B800] =	vst v63  }
0x9f: {  	_ =	swait.ge [sflag:s22], $0x6000  }
0xa0: {  	[sflag:s22] =	ssyncset.done $0x0  }
0xa1: {  	s7 =	sadd.s32 $0x1940, s17;
	[sflag:s22] =	ssyncadd.s32 $0xFFFFA000  }
0xa2: {  	[tilespmem:s18], [sflag:$0x7] =	stream.indirect.gather.add.f32 [hbm:s6], $0x300, s7, s13, $0xb8;
	[tilespmem:$0x1B800] =	vst v63  }
0xa3: {  	_ =	swait.ge [sflag:s23], $0x6000  }
0xa4: {  	[sflag:s23] =	ssyncset.done $0x0  }
0xa5: {  	s7 =	sadd.s32 $0xC00, s0;
	[sflag:s23] =	ssyncadd.s32 $0xFFFFA000  }
0xa6: {  	[hbm4b:s7+s5] =	stream.linear.scatter [tilespmem:s15], [sflag:$0xA], $0x6000, $0x38;
	[tilespmem:$0x1B800] =	vst v63  }
0xa7: {  	p1 =	seq.s32 s3, $0x6200;
	_ =	swait.ge [sflag:s24], $0x6000  }
0xa8: {  	s3 =	sshra.s32 @!p1 s3, $0x2;
	s7 =	simm.s32 @!p1 $0x3200;
	[sflag:s24] =	ssyncset.done $0x0  }
0xa9: {  	s16 =	simm.s32 @!p1 $0x20;
	s8 =	sadd.s32 @!p1 $0x80, s3;
	[sflag:s24] =	ssyncadd.s32 $0xFFFFA000  }
0xaa: {  	[tilespmem:s7], [sflag:$0x1] =	stream.indirect.gather @!p1 [hbm4b:s1+s16], $0x300, s8, s16, $0xb8;
	[tilespmem:$0x1B800] =	vst v63  }
0xab: {  	s30 =	sadd.s32 @!p1 $0x1980, s3;
	s8 =	sadd.s32 @!p1 $0xA0, s3;
	_ =	swait.ge [sflag:s25], $0x6000  }
0xac: {  	s3 =	smov.u32 s12;
	[sflag:s25] =	ssyncset.done $0x0  }
0xad: {  	s12 =	sadd.s32 $0x1960, s17;
	[sflag:s25] =	ssyncadd.s32 $0xFFFFA000  }
0xae: {  	[tilespmem:s21], [sflag:$0x8] =	stream.indirect.gather.add.f32 [hbm:s6], $0x300, s12, s13, $0xb8;
	[tilespmem:$0x1B800] =	vst v63  }
0xaf: {  	_ =	swait.ge [sflag:s26], $0x6000  }
0xb0: {  	[sflag:s26] =	ssyncset.done $0x0  }
0xb1: {  	s12 =	sadd.s32 $0x1800, s0;
	[sflag:s26] =	ssyncadd.s32 $0xFFFFA000  }
0xb2: {  	[hbm4b:s12+s5] =	stream.linear.scatter [tilespmem:s18], [sflag:$0xB], $0x6000, $0x38;
	[tilespmem:$0x1B800] =	vst v63  }
0xb3: {  	_ =	swait.ge [sflag:s28], $0x6000  }
0xb4: {  	[sflag:s28] =	ssyncset.done $0x0  }
0xb5: {  	s17 =	simm.s32 @!p1 $0x1;
	s12 =	simm.s32 @!p1 $0x9200;
	[sflag:s28] =	ssyncadd.s32 $0xFFFFA000  }
0xb6: {  	[tilespmem:s12], [sflag:$0x2] =	stream.indirect.gather @!p1 [hbm4b:s1+s16], $0x300, s8, s16, $0xb8;
	[tilespmem:$0x1B800] =	vst v63  }
0xb7: {  	_ =	swait.ge @!p1 [sflag:s17], $0x6000  }
.Ltmp3:
0xb8: {  	[sflag:s17] =	ssyncset.done @!p1 $0x0;
	(pc) =	sbr.rel @p0 .LBB2_8-.Ltmp3, $4  }
0xb9: {  	[sflag:s17] =	ssyncadd.s32 @!p1 $0xFFFFA000  }
0xba: {  	[tilespmem:s7], [sflag:$0x5] =	stream.indirect.gather.add.f32 @!p1 [hbm:s6], $0x300, s30, s16, $0xb8;
	[tilespmem:$0x1B800] =	vst v63  }
0xbb: {  	s0 =	sadd.s32 $0x3000, s0;
	_ =	swait.ge [sflag:s29], $0x6000  }
0xbc: {  	p1 =	seq.s32 s3, $0x0;
	s7 =	sadd.s32 $0x2400, s10;
	[sflag:s29] =	ssyncset.done $0x0  }
0xbd: {  	s4 =	simm.s32 @!p1 $0xB;
	[sflag:s29] =	ssyncadd.s32 $0xFFFFA000  }
0xbe: {  	[hbm4b:s7+s5] =	stream.linear.scatter [tilespmem:s21], [sflag:$0xC], $0x6000, $0x38;
	[tilespmem:$0x1B800] =	vst v63  }
0xbf: {  	_ =	swait.ge @!p1 [sflag:s4], $0x6000  }
0xc0: {  	s12 =	sshra.s32 s3, $0x2;
	[sflag:s4] =	ssyncset.done @!p1 $0x0  }
0xc1: {  	s16 =	sadd.s32 $0x40, s12;
	[sflag:s4] =	ssyncadd.s32 @!p1 $0xFFFFA000  }
0xc2: {  	[tilespmem:s18], [sflag:$0x3] =	stream.indirect.gather [hbm4b:s1+s13], $0x300, s16, s13, $0xb8;
	[tilespmem:$0x1B800] =	vst v63  }
0xc3: {  	_ =	swait.ge [sflag:s19], $0x6000  }
0xc4: {  	[sflag:s19] =	ssyncset.done $0x0  }
0xc5: {  	s17 =	sadd.s32 $0x1920, s12;
	[sflag:s19] =	ssyncadd.s32 $0xFFFFA000  }
0xc6: {  	[tilespmem:s15], [sflag:$0x6] =	stream.indirect.gather.add.f32 [hbm:s6], $0x300, s17, s13, $0xb8;
	[tilespmem:$0x1B800] =	vst v63  }
0xc7: {  	_ =	swait.ge [sflag:s20], $0x6000  }
0xc8: {  	[sflag:s20] =	ssyncset.done $0x0  }
0xc9: {  	s4 =	simm.s32 @!p1 $0xC;
	[sflag:s20] =	ssyncadd.s32 $0xFFFFA000  }
0xca: {  	[hbm4b:s0+s5] =	stream.linear.scatter [tilespmem:s14], [sflag:$0x9], $0x6000, $0x38;
	[tilespmem:$0x1B800] =	vst v63  }
0xcb: {  	_ =	swait.ge @!p1 [sflag:s4], $0x6000  }
0xcc: {  	[sflag:s4] =	ssyncset.done @!p1 $0x0  }
0xcd: {  	s30 =	sadd.s32 $0x60, s12;
	[sflag:s4] =	ssyncadd.s32 @!p1 $0xFFFFA000  }
0xce: {  	[tilespmem:s21], [sflag:$0x4] =	stream.indirect.gather [hbm4b:s1+s13], $0x300, s30, s13, $0xb8;
	[tilespmem:$0x1B800] =	vst v63  }
0xcf: {  	_ =	swait.ge [sflag:s22], $0x6000  }
0xd0: {  	[sflag:s22] =	ssyncset.done $0x0  }
0xd1: {  	s8 =	sadd.s32 $0x1940, s12;
	[sflag:s22] =	ssyncadd.s32 $0xFFFFA000  }
0xd2: {  	[tilespmem:s18], [sflag:$0x7] =	stream.indirect.gather.add.f32 [hbm:s6], $0x300, s8, s13, $0xb8;
	[tilespmem:$0x1B800] =	vst v63  }
0xd3: {  	_ =	swait.ge [sflag:s23], $0x6000  }
0xd4: {  	[sflag:s23] =	ssyncset.done $0x0  }
0xd5: {  	s10 =	sadd.s32 $0xC00, s0;
	[sflag:s23] =	ssyncadd.s32 $0xFFFFA000  }
0xd6: {  	[hbm4b:s10+s5] =	stream.linear.scatter [tilespmem:s15], [sflag:$0xA], $0x6000, $0x38;
	[tilespmem:$0x1B800] =	vst v63  }
0xd7: {  	p0 =	seq.s32 s3, $0x6200;
	_ =	swait.ge [sflag:s24], $0x6000  }
0xd8: {  	s3 =	sshra.s32 @!p0 s3, $0x2;
	s4 =	simm.s32 @!p0 $0x3200;
	[sflag:s24] =	ssyncset.done $0x0  }
0xd9: {  	s8 =	sadd.s32 @!p0 $0x80, s3;
	s10 =	simm.s32 @!p0 $0x20;
	[sflag:s24] =	ssyncadd.s32 $0xFFFFA000  }
0xda: {  	[tilespmem:s4], [sflag:$0x1] =	stream.indirect.gather @!p0 [hbm4b:s1+s10], $0x300, s8, s10, $0xb8;
	[tilespmem:$0x1B800] =	vst v63  }
0xdb: {  	_ =	swait.ge [sflag:s25], $0x6000  }
0xdc: {  	[sflag:s25] =	ssyncset.done $0x0  }
0xdd: {  	s7 =	sadd.s32 $0x1960, s12;
	[sflag:s25] =	ssyncadd.s32 $0xFFFFA000  }
0xde: {  	[tilespmem:s21], [sflag:$0x8] =	stream.indirect.gather.add.f32 [hbm:s6], $0x300, s7, s13, $0xb8;
	[tilespmem:$0x1B800] =	vst v63  }
0xdf: {  	_ =	swait.ge [sflag:s26], $0x6000  }
0xe0: {  	[sflag:s26] =	ssyncset.done $0x0  }
0xe1: {  	s12 =	sadd.s32 $0x1800, s0;
	[sflag:s26] =	ssyncadd.s32 $0xFFFFA000  }
0xe2: {  	[hbm4b:s12+s5] =	stream.linear.scatter [tilespmem:s18], [sflag:$0xB], $0x6000, $0x38;
	[tilespmem:$0x1B800] =	vst v63  }
0xe3: {  	_ =	swait.ge [sflag:s28], $0x6000  }
0xe4: {  	[sflag:s28] =	ssyncset.done $0x0  }
0xe5: {  	s8 =	simm.s32 @!p0 $0x9200;
	s7 =	sadd.s32 @!p0 $0xA0, s3;
	[sflag:s28] =	ssyncadd.s32 $0xFFFFA000  }
0xe6: {  	[tilespmem:s8], [sflag:$0x2] =	stream.indirect.gather @!p0 [hbm4b:s1+s10], $0x300, s7, s10, $0xb8;
	[tilespmem:$0x1B800] =	vst v63  }
0xe7: {  	s7 =	simm.s32 @!p0 $0x1  }
0xe8: {  	_ =	swait.ge @!p0 [sflag:s7], $0x6000  }
0xe9: {  	[sflag:s7] =	ssyncset.done @!p0 $0x0  }
0xea: {  	s3 =	sadd.s32 @!p0 $0x1980, s3;
	[sflag:s7] =	ssyncadd.s32 @!p0 $0xFFFFA000  }
0xeb: {  	[tilespmem:s4], [sflag:$0x5] =	stream.indirect.gather.add.f32 @!p0 [hbm:s6], $0x300, s3, s10, $0xb8;
	[tilespmem:$0x1B800] =	vst v63  }
0xec: {  	_ =	swait.ge [sflag:s29], $0x6000  }
0xed: {  	[sflag:s29] =	ssyncset.done $0x0  }
0xee: {  	s16 =	sadd.s32 $0x2400, s0;
	s17 =	simm.s32 $0xB;
	[sflag:s29] =	ssyncadd.s32 $0xFFFFA000  }
0xef: {  	[hbm4b:s16+s5] =	stream.linear.scatter [tilespmem:s21], [sflag:$0xC], $0x6000, $0x38;
	[tilespmem:$0x1B800] =	vst v63  }
0xf0: {  	_ =	swait.ge [sflag:s17], $0x6000  }
0xf1: {  	[sflag:s17] =	ssyncset.done $0x0  }
0xf2: {  	[sflag:s17] =	ssyncadd.s32 $0xFFFFA000  }
0xf3: {  	_ =	swait.ge [sflag:s31], $0x6000  }
0xf4: {  	s2 =	sadd.s32 $0x1, s2;
	s30 =	rddreg [dreg:$0x6]  }
0xf5: {  	p0 =	sne.s32 s2, s30  }
.Ltmp4:
0xf6: {  	_ = 	snop;
	(pc) =	sbr.rel @p0 .LBB2_1-.Ltmp4, $3  }
0xf7: {  	_ =	sdelay $0x1  }
0xf8: {  	[sflag:s31] =	ssyncset.done $0x0  }
0xf9: {  	[sflag:s31] =	ssyncadd.s32 $0xFFFFA000  }
0xfa: {  	_ =	sfence.sel $0x180000  }
0xfb: {  	[bflag:$0x0] =	sbarrier.arrive $0xFFFF  }
0xfc: {  	_ =	strace $0x90000047  }
0xfd: {  	s0 =	stileid.u32;
	[bflag:$0x2] =	sbarrier.arrive $0xFFFF  }
0xfe: {  	p0 =	sne.s32 s0, $0x0;
	s0 =	rddreg [dreg:$0x4]  }
0xff: {  	s0 =	sadd.s32 @!p0 $0x100000, s0  }
0x100: {  	[sflag:s0] =	ssyncadd.tile.s32 @!p0 $0x1;
	_ =	shalt  }
.Lfunc_end2:
_tile_overlayer_lowered:
.L_overlay_start_2:
0x101: {  	(tag) =	ssettag $0x2  }
0x102: {  	s0 =	rddreg [dreg:$0x0];
	s2 =	stileid.u32  }
0x103: {  	s1 =	rddreg [dreg:$0x1];
	p0 =	sne.s32 s2, $0x0  }
0x104: {  	s3 =	rddreg [dreg:$0x2];
	[bflag:$0x3] =	sbarrier.arrive $0xFFFF;
	s2 =	simm.s32 @!p0 $0x1C0D  }
0x105: {  	[timem:s3], [sflag:s2] =	dma.local @!p0 [hbm:s0], s1  }
0x106: {  	s0 =	simm.s32 @!p0 $0xD  }
0x107: {  	_ =	swait.ge @!p0 [sflag:s0], s1  }
0x108: {  	s1 =	ssub.s32 @!p0 $0x0, s1;
	[sflag:s0] =	ssyncset.done @!p0 $0x0  }
0x109: {  	[sflag:s0] =	ssyncadd.s32 @!p0 s1  }
0x10a: {  	[bflag:$0x3] =	sbarrier.arrive $0xFFFF  }
0x10b: {  	_ =	shalt  }

</sc_bundles>
